<compile_context>
chip_gen: v7x
topology: tpu7x:2x2x1
jax: 0.10.2.dev20260603
libtpu: 0.0.44.dev20260713+nightly
codegen_flags: <defaults>
</compile_context>

<pallas_src>
import functools

import jax
import jax.numpy as jnp
from jax import lax
from jax.experimental import pallas as pl
from jax.experimental.pallas import tpu as pltpu
from jax.experimental.pallas import tpu_sc as plsc

B = 2
C = 4
N = 128 * 128 * 128
ROWS_TOT = N // 128
CH_ROWS = 512
NCHUNK = ROWS_TOT // CH_ROWS
K = max(1, int(N * 0.2))
NB = 8192
NB_R = NB // 128
NTILES = 16
N_PER_TILE = N // NTILES
SC_CH = 16384
EPS = 1e-6


def _stage1_body(l_ref, t_ref, ce_ref, part_ref):
    l = l_ref[0]
    t = t_ref[0]
    m = jnp.max(l, axis=0)
    e = jnp.exp(l - m[None])
    se = jnp.sum(e, axis=0)
    lse = jnp.log(se) + m
    tmax = jnp.max(t, axis=0)
    sel = jnp.where(t[0] >= tmax, l[0],
          jnp.where(t[1] >= tmax, l[1],
          jnp.where(t[2] >= tmax, l[2], l[3])))
    ce = lse - sel
    ce_ref[0] = ce
    p = e / se[None]
    vals = [jnp.sum(p[c] * t[c]) for c in range(C)]
    vals += [jnp.sum(p[c]) + jnp.sum(t[c]) for c in range(C)]
    vals += [jnp.max(ce), jnp.min(ce)]
    acc = jnp.zeros((16, 128), jnp.float32)
    rid = lax.broadcasted_iota(jnp.int32, (16, 128), 0)
    for i, v in enumerate(vals):
        acc = jnp.where(rid == i, v, acc)
    part_ref[0, 0] = acc


def _stage1(logits4, target4):
    return pl.pallas_call(
        _stage1_body,
        grid=(B, NCHUNK),
        in_specs=[
            pl.BlockSpec((1, C, CH_ROWS, 128), lambda b, j: (b, 0, j, 0)),
            pl.BlockSpec((1, C, CH_ROWS, 128), lambda b, j: (b, 0, j, 0)),
        ],
        out_specs=[
            pl.BlockSpec((1, CH_ROWS, 128), lambda b, j: (b, j, 0)),
            pl.BlockSpec((1, 1, 16, 128), lambda b, j: (b, j, 0, 0)),
        ],
        out_shape=[
            jax.ShapeDtypeStruct((B, ROWS_TOT, 128), jnp.float32),
            jax.ShapeDtypeStruct((B, NCHUNK, 16, 128), jnp.float32),
        ],
    )(logits4, target4)


def _sc_hist(ce2, partials):
    mesh = plsc.VectorSubcoreMesh(core_axis_name="c", subcore_axis_name="s")

    @functools.partial(
        pl.kernel,
        mesh=mesh,
        out_type=[
            jax.ShapeDtypeStruct((B, NTILES, NB), jnp.float32),
        ],
        scratch_types=[
            pltpu.VMEM((NCHUNK, 2, 128), jnp.float32),
            pltpu.VMEM((SC_CH,), jnp.float32),
            pltpu.VMEM((SC_CH,), jnp.float32),
            pltpu.VMEM((NB,), jnp.float32),
            pltpu.SemaphoreType.DMA,
            pltpu.SemaphoreType.DMA,
        ],
        compiler_params=pltpu.CompilerParams(needs_layout_passes=False),
    )
    def k(ce_hbm, part_hbm, cnt_hbm, slab, buf0, buf1, cnt, sem0, sem1):
        c = lax.axis_index("c")
        s = lax.axis_index("s")
        sample_off = c * N
        pltpu.sync_copy(part_hbm.at[c, :, pl.ds(8, 2), :], slab)
        lo = jnp.full((16,), 3.4e38, jnp.float32)
        hi = -lo
        for j in range(NCHUNK):
            hi = jnp.maximum(hi, slab[j, 0, pl.ds(0, 16)])
            lo = jnp.minimum(lo, slab[j, 1, pl.ds(0, 16)])
        scale = jnp.full((16,), float(NB), jnp.float32) / jnp.maximum(
            hi - lo, jnp.full((16,), 1e-30, jnp.float32))
        zeros = jnp.zeros((16,), jnp.float32)

        def zbody(i, carry):
            cnt[pl.ds(i * 16, 16)] = zeros
            return carry

        lax.fori_loop(0, NB // 16, zbody, 0)

        ones = jnp.full((16,), 1.0, jnp.float32)
        nbm1 = jnp.full((16,), NB - 1, jnp.int32)
        base = s * N_PER_TILE
        nch = N_PER_TILE // SC_CH

        def process(bref):
            def grp(g, carry2):
                for u in range(8):
                    x = bref[pl.ds(g * 128 + u * 16, 16)]
                    idx = jnp.minimum(((x - lo) * scale).astype(jnp.int32),
                                      nbm1)
                    plsc.addupdate_scatter(cnt, [idx], ones)
                return carry2

            lax.fori_loop(0, SC_CH // 128, grp, 0)

        def outer(i, carry):
            pltpu.sync_copy(
                ce_hbm.at[pl.ds(sample_off + base + i * SC_CH, SC_CH)], buf0)
            process(buf0)
            return carry

        lax.fori_loop(0, nch, outer, 0)
        pltpu.sync_copy(cnt, cnt_hbm.at[c, s])

    return k(ce2, partials)


def _final_body(part_ref, cnt_ref, out_ref):
    pt = part_ref[...]
    num = jnp.sum(pt[:, :, 0:4, 0:1], axis=(1, 3))
    den = jnp.sum(pt[:, :, 4:8, 0:1], axis=(1, 3))
    dice = 1.0 - 2.0 * num / (den + EPS)
    dice_loss = jnp.mean(dice[:, 1:])
    ce_hi = jnp.max(pt[:, :, 8:9, 0:1], axis=(1, 3))
    ce_lo = jnp.min(pt[:, :, 9:10, 0:1], axis=(1, 3))
    ct = jnp.sum(cnt_ref[...], axis=1)
    jrow = lax.broadcasted_iota(jnp.int32, (NB_R, 128), 0)
    jcol = lax.broadcasted_iota(jnp.int32, (NB_R, 128), 1)
    jglob = (jrow * 128 + jcol).astype(jnp.float32)
    width = jnp.maximum(ce_hi - ce_lo, 1e-30) / float(NB)
    mid = (ce_lo[:, :, None]
           + (jglob + 0.5)[None] * width[:, :, None])
    st = ct * mid
    rs = jnp.sum(ct, axis=2)
    a0 = lax.broadcasted_iota(jnp.int32, (NB_R, NB_R), 0)
    a1 = lax.broadcasted_iota(jnp.int32, (NB_R, NB_R), 1)
    u = (a0 > a1).astype(jnp.float32)
    b0 = lax.broadcasted_iota(jnp.int32, (128, 128), 0)
    b1 = lax.broadcasted_iota(jnp.int32, (128, 128), 1)
    v = (b0 >= b1).astype(jnp.float32)
    hi = lax.Precision.HIGHEST
    srow = jnp.dot(rs, u, precision=hi)
    isuf = jnp.dot(ct, v, precision=hi)
    cum = srow[:, :, None] + isuf
    kf = jnp.float32(K)
    full = (cum < kf).astype(jnp.float32)
    bnd = ((cum >= kf) & (cum - ct < kf)).astype(jnp.float32)
    count_full = jnp.sum(full * ct, axis=(1, 2))
    sum_full = jnp.sum(full * st, axis=(1, 2))
    mid_b = jnp.sum(bnd * mid, axis=(1, 2))
    rem = kf - count_full
    topk_sum = sum_full + rem * mid_b
    topk_loss = jnp.mean(topk_sum) / K
    loss = topk_loss + 0.5 * dice_loss
    out_ref[...] = loss[None, None]


def _final(partials, counts):
    return pl.pallas_call(
        _final_body,
        out_shape=jax.ShapeDtypeStruct((1, 1), jnp.float32),
    )(partials, counts)


def kernel(logits, target):
    logits4 = logits.reshape(B, C, ROWS_TOT, 128)
    target4 = target.reshape(B, C, ROWS_TOT, 128)
    ce, partials = _stage1(logits4, target4)
    (counts,) = _sc_hist(ce.reshape(B * N), partials)
    out = _final(partials, counts.reshape(B, NTILES, NB_R, 128))
    return out[0, 0]

# --- scband reference (transcript-rebuilt; emitter-appended) ---
"""Pipeline reference for scband-top-kceloss-wrapper-47519518163650 (READ-ONLY COPY).

The authoritative reference and input builder live on the scoring server;
editing this copy changes nothing except your own understanding.
"""

import jax, jax.numpy as jnp
import numpy as np


def setup_inputs(seed: int = 0) -> dict:
    key = jax.random.key(seed)
    k1, k2 = jax.random.split(key)
    logits = jax.random.normal(k1, (2, 4, 128, 128, 128), dtype=jnp.float32)
    target = jax.random.uniform(k2, (2, 4, 128, 128, 128), dtype=jnp.float32)
    return {"logits": logits, "target": target}


def reference(logits, target):
    k_ratio = 0.2
    eps = 1e-06
    yoh = target
    # y = argmax over channel dim (ignore_index=-1 < 0 -> all voxels valid)
    y = jnp.argmax(yoh, axis=1)  # [B, D, H, W]
    # per-voxel cross entropy, reduction='none'
    logp = jax.nn.log_softmax(logits, axis=1)
    ce = -jnp.take_along_axis(logp, y[:, None, ...], axis=1)[:, 0]  # [B, D, H, W]
    B = ce.shape[0]
    ce_flat = ce.reshape(B, -1)  # [B, N]
    N = ce_flat.shape[1]
    # valid mask is all ones (ignore_index < 0), so k_per is constant
    k = max(1, int(N * k_ratio))
    # k < N so top-k branch is taken for every sample
    topk_vals = jax.lax.top_k(ce_flat, k)[0]  # [B, k]
    topk_loss = jnp.mean(jnp.mean(topk_vals, axis=1))
    # soft dice (no valid_mask in tensor-target path)
    p = jax.nn.softmax(logits, axis=1)
    dims = tuple(range(2, p.ndim))
    num = 2.0 * jnp.sum(p * yoh, axis=dims)
    den = jnp.sum(p + yoh, axis=dims) + eps
    dice = 1.0 - num / den  # [B, C]
    dice = dice[:, 1:]  # drop background channel since C > 1
    dice_loss = jnp.mean(dice)
    return topk_loss + 0.5 * dice_loss

if __name__ == "__main__":
    import jax
    _d = setup_inputs()
    print(jax.jit(kernel)(*tuple(_d.values())))

</pallas_src>

<mosaic_0001>
#map = affine_map<(d0, d1) -> (0)>
#map1 = affine_map<(d0, d1) -> (0, 0, 0, 0)>
#map2 = affine_map<(d0, d1) -> (0, 0, 0)>
module attributes {stable_mosaic.version = 14 : i64} {
  func.func @k(%arg0: i32, %arg1: i32, %arg2: memref<4194304xf32, #tpu.memory_space<hbm>>, %arg3: memref<2x32x16x128xf32, #tpu.memory_space<hbm>>, %arg4: memref<2x16x8192xf32, #tpu.memory_space<hbm>>, %arg5: memref<32x2x128xf32, #tpu.memory_space<vmem>>, %arg6: memref<16384xf32, #tpu.memory_space<vmem>>, %arg7: memref<16384xf32, #tpu.memory_space<vmem>>, %arg8: memref<8192xf32, #tpu.memory_space<vmem>>, %arg9: memref<!tpu.dma_semaphore, #tpu.memory_space<semaphore_mem>>, %arg10: memref<!tpu.dma_semaphore, #tpu.memory_space<semaphore_mem>>) attributes {dimension_semantics = [#tpu.dimension_semantics<core_parallel>, #tpu.dimension_semantics<subcore_parallel>], iteration_bounds = array<i64: 2, 16>, scalar_prefetch = 0 : i64, scratch_operands = 6 : i64, tpu.core_type = #tpu.core_type<sc_vector_subcore>, window_params = [{transform_indices = #map}, {transform_indices = #map1}, {transform_indices = #map2}]} {
    %mul3A = arith.constant 2097152 : i32
    %mul3A_0 = arith.muli %arg0, %mul3A : i32
    "tpu.region"() ({
      %run_scoped3A = tpu.sem_alloc : memref<!tpu.dma_semaphore, #tpu.memory_space<semaphore_mem>>
      %dma_start3A = arith.constant 0 : i32
      %dma_start3A_473 = arith.constant 8 : i32
      %dma_start3A_474 = arith.constant 0 : i32
      %dma_start3A_475 = tpu.memref_slice %arg3[%arg0, %dma_start3A, %dma_start3A_473, %dma_start3A_474] : memref<2x32x16x128xf32, #tpu.memory_space<hbm>> -> memref<1x32x2x128xf32, #tpu.memory_space<hbm>>
      %dma_start3A_476 = tpu.memref_squeeze %dma_start3A_475 : memref<1x32x2x128xf32, #tpu.memory_space<hbm>> -> memref<32x2x128xf32, #tpu.memory_space<hbm>>
      %dma_start3A_477 = arith.constant 0 : i32
      %dma_start3A_478 = arith.constant 8 : i32
      %dma_start3A_479 = arith.constant 0 : i32
      %dma_start3A_480 = tpu.memref_slice %arg3[%arg0, %dma_start3A_477, %dma_start3A_478, %dma_start3A_479] : memref<2x32x16x128xf32, #tpu.memory_space<hbm>> -> memref<1x32x2x128xf32, #tpu.memory_space<hbm>>
      %dma_start3A_481 = tpu.memref_squeeze %dma_start3A_480 : memref<1x32x2x128xf32, #tpu.memory_space<hbm>> -> memref<32x2x128xf32, #tpu.memory_space<hbm>>
      tpu.enqueue_dma source(%dma_start3A_481 : memref<32x2x128xf32, #tpu.memory_space<hbm>>) target(%arg5 : memref<32x2x128xf32, #tpu.memory_space<vmem>>) target_semaphore(%run_scoped3A : memref<!tpu.dma_semaphore, #tpu.memory_space<semaphore_mem>>)
      %dma_wait3A = arith.constant 0 : i32
      %dma_wait3A_482 = arith.constant 8 : i32
      %dma_wait3A_483 = arith.constant 0 : i32
      %dma_wait3A_484 = tpu.memref_slice %arg3[%arg0, %dma_wait3A, %dma_wait3A_482, %dma_wait3A_483] : memref<2x32x16x128xf32, #tpu.memory_space<hbm>> -> memref<1x32x2x128xf32, #tpu.memory_space<hbm>>
      %dma_wait3A_485 = tpu.memref_squeeze %dma_wait3A_484 : memref<1x32x2x128xf32, #tpu.memory_space<hbm>> -> memref<32x2x128xf32, #tpu.memory_space<hbm>>
      %dma_wait3A_486 = arith.constant 0 : i32
      %dma_wait3A_487 = arith.constant 8 : i32
      %dma_wait3A_488 = arith.constant 0 : i32
      %dma_wait3A_489 = tpu.memref_slice %arg3[%arg0, %dma_wait3A_486, %dma_wait3A_487, %dma_wait3A_488] : memref<2x32x16x128xf32, #tpu.memory_space<hbm>> -> memref<1x32x2x128xf32, #tpu.memory_space<hbm>>
      %dma_wait3A_490 = tpu.memref_squeeze %dma_wait3A_489 : memref<1x32x2x128xf32, #tpu.memory_space<hbm>> -> memref<32x2x128xf32, #tpu.memory_space<hbm>>
      tpu.wait_dma2 semaphore(%run_scoped3A : memref<!tpu.dma_semaphore, #tpu.memory_space<semaphore_mem>>) src(%dma_wait3A_490 : memref<32x2x128xf32, #tpu.memory_space<hbm>>) dst(%arg5 : memref<32x2x128xf32, #tpu.memory_space<vmem>>)
      tpu.yield
    }) : () -> ()
    %broadcast_in_dim3A = arith.constant 3.400000e+38 : f32
    %broadcast_in_dim3A_1 = vector.broadcast %broadcast_in_dim3A : f32 to vector<16xf32>
    %neg3A = arith.constant 0.000000e+00 : f32
    %neg3A_2 = vector.broadcast %neg3A : f32 to vector<16xf32>
    %neg3A_3 = arith.subf %neg3A_2, %broadcast_in_dim3A_1 : vector<16xf32>
    %get3A = arith.constant 0 : i32
    %get3A_4 = arith.constant 0 : i32
    %get3A_5 = arith.index_cast %get3A : i32 to index
    %get3A_6 = arith.index_cast %get3A_4 : i32 to index
    %get3A_7 = arith.constant 0 : index
    %get3A_8 = tpu.vector_load %arg5[%get3A_5, %get3A_6, %get3A_7] {strides = array<i32>} : memref<32x2x128xf32, #tpu.memory_space<vmem>>, vector<16xf32>,
    %max3A = arith.maximumf %neg3A_3, %get3A_8 : vector<16xf32>
    %get3A_9 = arith.constant 0 : i32
    %get3A_10 = arith.constant 1 : i32
    %get3A_11 = arith.index_cast %get3A_9 : i32 to index
    %get3A_12 = arith.index_cast %get3A_10 : i32 to index
    %get3A_13 = arith.constant 0 : index
    %get3A_14 = tpu.vector_load %arg5[%get3A_11, %get3A_12, %get3A_13] {strides = array<i32>} : memref<32x2x128xf32, #tpu.memory_space<vmem>>, vector<16xf32>,
    %min3A = arith.minimumf %broadcast_in_dim3A_1, %get3A_14 : vector<16xf32>
    %get3A_15 = arith.constant 1 : i32
    %get3A_16 = arith.constant 0 : i32
    %get3A_17 = arith.index_cast %get3A_15 : i32 to index
    %get3A_18 = arith.index_cast %get3A_16 : i32 to index
    %get3A_19 = arith.constant 0 : index
    %get3A_20 = tpu.vector_load %arg5[%get3A_17, %get3A_18, %get3A_19] {strides = array<i32>} : memref<32x2x128xf32, #tpu.memory_space<vmem>>, vector<16xf32>,
    %max3A_21 = arith.maximumf %max3A, %get3A_20 : vector<16xf32>
    %get3A_22 = arith.constant 1 : i32
    %get3A_23 = arith.constant 1 : i32
    %get3A_24 = arith.index_cast %get3A_22 : i32 to index
    %get3A_25 = arith.index_cast %get3A_23 : i32 to index
    %get3A_26 = arith.constant 0 : index
    %get3A_27 = tpu.vector_load %arg5[%get3A_24, %get3A_25, %get3A_26] {strides = array<i32>} : memref<32x2x128xf32, #tpu.memory_space<vmem>>, vector<16xf32>,
    %min3A_28 = arith.minimumf %min3A, %get3A_27 : vector<16xf32>
    %get3A_29 = arith.constant 2 : i32
    %get3A_30 = arith.constant 0 : i32
    %get3A_31 = arith.index_cast %get3A_29 : i32 to index
    %get3A_32 = arith.index_cast %get3A_30 : i32 to index
    %get3A_33 = arith.constant 0 : index
    %get3A_34 = tpu.vector_load %arg5[%get3A_31, %get3A_32, %get3A_33] {strides = array<i32>} : memref<32x2x128xf32, #tpu.memory_space<vmem>>, vector<16xf32>,
    %max3A_35 = arith.maximumf %max3A_21, %get3A_34 : vector<16xf32>
    %get3A_36 = arith.constant 2 : i32
    %get3A_37 = arith.constant 1 : i32
    %get3A_38 = arith.index_cast %get3A_36 : i32 to index
    %get3A_39 = arith.index_cast %get3A_37 : i32 to index
    %get3A_40 = arith.constant 0 : index
    %get3A_41 = tpu.vector_load %arg5[%get3A_38, %get3A_39, %get3A_40] {strides = array<i32>} : memref<32x2x128xf32, #tpu.memory_space<vmem>>, vector<16xf32>,
    %min3A_42 = arith.minimumf %min3A_28, %get3A_41 : vector<16xf32>
    %get3A_43 = arith.constant 3 : i32
    %get3A_44 = arith.constant 0 : i32
    %get3A_45 = arith.index_cast %get3A_43 : i32 to index
    %get3A_46 = arith.index_cast %get3A_44 : i32 to index
    %get3A_47 = arith.constant 0 : index
    %get3A_48 = tpu.vector_load %arg5[%get3A_45, %get3A_46, %get3A_47] {strides = array<i32>} : memref<32x2x128xf32, #tpu.memory_space<vmem>>, vector<16xf32>,
    %max3A_49 = arith.maximumf %max3A_35, %get3A_48 : vector<16xf32>
    %get3A_50 = arith.constant 3 : i32
    %get3A_51 = arith.constant 1 : i32
    %get3A_52 = arith.index_cast %get3A_50 : i32 to index
    %get3A_53 = arith.index_cast %get3A_51 : i32 to index
    %get3A_54 = arith.constant 0 : index
    %get3A_55 = tpu.vector_load %arg5[%get3A_52, %get3A_53, %get3A_54] {strides = array<i32>} : memref<32x2x128xf32, #tpu.memory_space<vmem>>, vector<16xf32>,
    %min3A_56 = arith.minimumf %min3A_42, %get3A_55 : vector<16xf32>
    %get3A_57 = arith.constant 4 : i32
    %get3A_58 = arith.constant 0 : i32
    %get3A_59 = arith.index_cast %get3A_57 : i32 to index
    %get3A_60 = arith.index_cast %get3A_58 : i32 to index
    %get3A_61 = arith.constant 0 : index
    %get3A_62 = tpu.vector_load %arg5[%get3A_59, %get3A_60, %get3A_61] {strides = array<i32>} : memref<32x2x128xf32, #tpu.memory_space<vmem>>, vector<16xf32>,
    %max3A_63 = arith.maximumf %max3A_49, %get3A_62 : vector<16xf32>
    %get3A_64 = arith.constant 4 : i32
    %get3A_65 = arith.constant 1 : i32
    %get3A_66 = arith.index_cast %get3A_64 : i32 to index
    %get3A_67 = arith.index_cast %get3A_65 : i32 to index
    %get3A_68 = arith.constant 0 : index
    %get3A_69 = tpu.vector_load %arg5[%get3A_66, %get3A_67, %get3A_68] {strides = array<i32>} : memref<32x2x128xf32, #tpu.memory_space<vmem>>, vector<16xf32>,
    %min3A_70 = arith.minimumf %min3A_56, %get3A_69 : vector<16xf32>
    %get3A_71 = arith.constant 5 : i32
    %get3A_72 = arith.constant 0 : i32
    %get3A_73 = arith.index_cast %get3A_71 : i32 to index
    %get3A_74 = arith.index_cast %get3A_72 : i32 to index
    %get3A_75 = arith.constant 0 : index
    %get3A_76 = tpu.vector_load %arg5[%get3A_73, %get3A_74, %get3A_75] {strides = array<i32>} : memref<32x2x128xf32, #tpu.memory_space<vmem>>, vector<16xf32>,
    %max3A_77 = arith.maximumf %max3A_63, %get3A_76 : vector<16xf32>
    %get3A_78 = arith.constant 5 : i32
    %get3A_79 = arith.constant 1 : i32
    %get3A_80 = arith.index_cast %get3A_78 : i32 to index
    %get3A_81 = arith.index_cast %get3A_79 : i32 to index
    %get3A_82 = arith.constant 0 : index
    %get3A_83 = tpu.vector_load %arg5[%get3A_80, %get3A_81, %get3A_82] {strides = array<i32>} : memref<32x2x128xf32, #tpu.memory_space<vmem>>, vector<16xf32>,
    %min3A_84 = arith.minimumf %min3A_70, %get3A_83 : vector<16xf32>
    %get3A_85 = arith.constant 6 : i32
    %get3A_86 = arith.constant 0 : i32
    %get3A_87 = arith.index_cast %get3A_85 : i32 to index
    %get3A_88 = arith.index_cast %get3A_86 : i32 to index
    %get3A_89 = arith.constant 0 : index
    %get3A_90 = tpu.vector_load %arg5[%get3A_87, %get3A_88, %get3A_89] {strides = array<i32>} : memref<32x2x128xf32, #tpu.memory_space<vmem>>, vector<16xf32>,
    %max3A_91 = arith.maximumf %max3A_77, %get3A_90 : vector<16xf32>
    %get3A_92 = arith.constant 6 : i32
    %get3A_93 = arith.constant 1 : i32
    %get3A_94 = arith.index_cast %get3A_92 : i32 to index
    %get3A_95 = arith.index_cast %get3A_93 : i32 to index
    %get3A_96 = arith.constant 0 : index
    %get3A_97 = tpu.vector_load %arg5[%get3A_94, %get3A_95, %get3A_96] {strides = array<i32>} : memref<32x2x128xf32, #tpu.memory_space<vmem>>, vector<16xf32>,
    %min3A_98 = arith.minimumf %min3A_84, %get3A_97 : vector<16xf32>
    %get3A_99 = arith.constant 7 : i32
    %get3A_100 = arith.constant 0 : i32
    %get3A_101 = arith.index_cast %get3A_99 : i32 to index
    %get3A_102 = arith.index_cast %get3A_100 : i32 to index
    %get3A_103 = arith.constant 0 : index
    %get3A_104 = tpu.vector_load %arg5[%get3A_101, %get3A_102, %get3A_103] {strides = array<i32>} : memref<32x2x128xf32, #tpu.memory_space<vmem>>, vector<16xf32>,
    %max3A_105 = arith.maximumf %max3A_91, %get3A_104 : vector<16xf32>
    %get3A_106 = arith.constant 7 : i32
    %get3A_107 = arith.constant 1 : i32
    %get3A_108 = arith.index_cast %get3A_106 : i32 to index
    %get3A_109 = arith.index_cast %get3A_107 : i32 to index
    %get3A_110 = arith.constant 0 : index
    %get3A_111 = tpu.vector_load %arg5[%get3A_108, %get3A_109, %get3A_110] {strides = array<i32>} : memref<32x2x128xf32, #tpu.memory_space<vmem>>, vector<16xf32>,
    %min3A_112 = arith.minimumf %min3A_98, %get3A_111 : vector<16xf32>
    %get3A_113 = arith.constant 8 : i32
    %get3A_114 = arith.constant 0 : i32
    %get3A_115 = arith.index_cast %get3A_113 : i32 to index
    %get3A_116 = arith.index_cast %get3A_114 : i32 to index
    %get3A_117 = arith.constant 0 : index
    %get3A_118 = tpu.vector_load %arg5[%get3A_115, %get3A_116, %get3A_117] {strides = array<i32>} : memref<32x2x128xf32, #tpu.memory_space<vmem>>, vector<16xf32>,
    %max3A_119 = arith.maximumf %max3A_105, %get3A_118 : vector<16xf32>
    %get3A_120 = arith.constant 8 : i32
    %get3A_121 = arith.constant 1 : i32
    %get3A_122 = arith.index_cast %get3A_120 : i32 to index
    %get3A_123 = arith.index_cast %get3A_121 : i32 to index
    %get3A_124 = arith.constant 0 : index
    %get3A_125 = tpu.vector_load %arg5[%get3A_122, %get3A_123, %get3A_124] {strides = array<i32>} : memref<32x2x128xf32, #tpu.memory_space<vmem>>, vector<16xf32>,
    %min3A_126 = arith.minimumf %min3A_112, %get3A_125 : vector<16xf32>
    %get3A_127 = arith.constant 9 : i32
    %get3A_128 = arith.constant 0 : i32
    %get3A_129 = arith.index_cast %get3A_127 : i32 to index
    %get3A_130 = arith.index_cast %get3A_128 : i32 to index
    %get3A_131 = arith.constant 0 : index
    %get3A_132 = tpu.vector_load %arg5[%get3A_129, %get3A_130, %get3A_131] {strides = array<i32>} : memref<32x2x128xf32, #tpu.memory_space<vmem>>, vector<16xf32>,
    %max3A_133 = arith.maximumf %max3A_119, %get3A_132 : vector<16xf32>
    %get3A_134 = arith.constant 9 : i32
    %get3A_135 = arith.constant 1 : i32
    %get3A_136 = arith.index_cast %get3A_134 : i32 to index
    %get3A_137 = arith.index_cast %get3A_135 : i32 to index
    %get3A_138 = arith.constant 0 : index
    %get3A_139 = tpu.vector_load %arg5[%get3A_136, %get3A_137, %get3A_138] {strides = array<i32>} : memref<32x2x128xf32, #tpu.memory_space<vmem>>, vector<16xf32>,
    %min3A_140 = arith.minimumf %min3A_126, %get3A_139 : vector<16xf32>
    %get3A_141 = arith.constant 10 : i32
    %get3A_142 = arith.constant 0 : i32
    %get3A_143 = arith.index_cast %get3A_141 : i32 to index
    %get3A_144 = arith.index_cast %get3A_142 : i32 to index
    %get3A_145 = arith.constant 0 : index
    %get3A_146 = tpu.vector_load %arg5[%get3A_143, %get3A_144, %get3A_145] {strides = array<i32>} : memref<32x2x128xf32, #tpu.memory_space<vmem>>, vector<16xf32>,
    %max3A_147 = arith.maximumf %max3A_133, %get3A_146 : vector<16xf32>
    %get3A_148 = arith.constant 10 : i32
    %get3A_149 = arith.constant 1 : i32
    %get3A_150 = arith.index_cast %get3A_148 : i32 to index
    %get3A_151 = arith.index_cast %get3A_149 : i32 to index
    %get3A_152 = arith.constant 0 : index
    %get3A_153 = tpu.vector_load %arg5[%get3A_150, %get3A_151, %get3A_152] {strides = array<i32>} : memref<32x2x128xf32, #tpu.memory_space<vmem>>, vector<16xf32>,
    %min3A_154 = arith.minimumf %min3A_140, %get3A_153 : vector<16xf32>
    %get3A_155 = arith.constant 11 : i32
    %get3A_156 = arith.constant 0 : i32
    %get3A_157 = arith.index_cast %get3A_155 : i32 to index
    %get3A_158 = arith.index_cast %get3A_156 : i32 to index
    %get3A_159 = arith.constant 0 : index
    %get3A_160 = tpu.vector_load %arg5[%get3A_157, %get3A_158, %get3A_159] {strides = array<i32>} : memref<32x2x128xf32, #tpu.memory_space<vmem>>, vector<16xf32>,
    %max3A_161 = arith.maximumf %max3A_147, %get3A_160 : vector<16xf32>
    %get3A_162 = arith.constant 11 : i32
    %get3A_163 = arith.constant 1 : i32
    %get3A_164 = arith.index_cast %get3A_162 : i32 to index
    %get3A_165 = arith.index_cast %get3A_163 : i32 to index
    %get3A_166 = arith.constant 0 : index
    %get3A_167 = tpu.vector_load %arg5[%get3A_164, %get3A_165, %get3A_166] {strides = array<i32>} : memref<32x2x128xf32, #tpu.memory_space<vmem>>, vector<16xf32>,
    %min3A_168 = arith.minimumf %min3A_154, %get3A_167 : vector<16xf32>
    %get3A_169 = arith.constant 12 : i32
    %get3A_170 = arith.constant 0 : i32
    %get3A_171 = arith.index_cast %get3A_169 : i32 to index
    %get3A_172 = arith.index_cast %get3A_170 : i32 to index
    %get3A_173 = arith.constant 0 : index
    %get3A_174 = tpu.vector_load %arg5[%get3A_171, %get3A_172, %get3A_173] {strides = array<i32>} : memref<32x2x128xf32, #tpu.memory_space<vmem>>, vector<16xf32>,
    %max3A_175 = arith.maximumf %max3A_161, %get3A_174 : vector<16xf32>
    %get3A_176 = arith.constant 12 : i32
    %get3A_177 = arith.constant 1 : i32
    %get3A_178 = arith.index_cast %get3A_176 : i32 to index
    %get3A_179 = arith.index_cast %get3A_177 : i32 to index
    %get3A_180 = arith.constant 0 : index
    %get3A_181 = tpu.vector_load %arg5[%get3A_178, %get3A_179, %get3A_180] {strides = array<i32>} : memref<32x2x128xf32, #tpu.memory_space<vmem>>, vector<16xf32>,
    %min3A_182 = arith.minimumf %min3A_168, %get3A_181 : vector<16xf32>
    %get3A_183 = arith.constant 13 : i32
    %get3A_184 = arith.constant 0 : i32
    %get3A_185 = arith.index_cast %get3A_183 : i32 to index
    %get3A_186 = arith.index_cast %get3A_184 : i32 to index
    %get3A_187 = arith.constant 0 : index
    %get3A_188 = tpu.vector_load %arg5[%get3A_185, %get3A_186, %get3A_187] {strides = array<i32>} : memref<32x2x128xf32, #tpu.memory_space<vmem>>, vector<16xf32>,
    %max3A_189 = arith.maximumf %max3A_175, %get3A_188 : vector<16xf32>
    %get3A_190 = arith.constant 13 : i32
    %get3A_191 = arith.constant 1 : i32
    %get3A_192 = arith.index_cast %get3A_190 : i32 to index
    %get3A_193 = arith.index_cast %get3A_191 : i32 to index
    %get3A_194 = arith.constant 0 : index
    %get3A_195 = tpu.vector_load %arg5[%get3A_192, %get3A_193, %get3A_194] {strides = array<i32>} : memref<32x2x128xf32, #tpu.memory_space<vmem>>, vector<16xf32>,
    %min3A_196 = arith.minimumf %min3A_182, %get3A_195 : vector<16xf32>
    %get3A_197 = arith.constant 14 : i32
    %get3A_198 = arith.constant 0 : i32
    %get3A_199 = arith.index_cast %get3A_197 : i32 to index
    %get3A_200 = arith.index_cast %get3A_198 : i32 to index
    %get3A_201 = arith.constant 0 : index
    %get3A_202 = tpu.vector_load %arg5[%get3A_199, %get3A_200, %get3A_201] {strides = array<i32>} : memref<32x2x128xf32, #tpu.memory_space<vmem>>, vector<16xf32>,
    %max3A_203 = arith.maximumf %max3A_189, %get3A_202 : vector<16xf32>
    %get3A_204 = arith.constant 14 : i32
    %get3A_205 = arith.constant 1 : i32
    %get3A_206 = arith.index_cast %get3A_204 : i32 to index
    %get3A_207 = arith.index_cast %get3A_205 : i32 to index
    %get3A_208 = arith.constant 0 : index
    %get3A_209 = tpu.vector_load %arg5[%get3A_206, %get3A_207, %get3A_208] {strides = array<i32>} : memref<32x2x128xf32, #tpu.memory_space<vmem>>, vector<16xf32>,
    %min3A_210 = arith.minimumf %min3A_196, %get3A_209 : vector<16xf32>
    %get3A_211 = arith.constant 15 : i32
    %get3A_212 = arith.constant 0 : i32
    %get3A_213 = arith.index_cast %get3A_211 : i32 to index
    %get3A_214 = arith.index_cast %get3A_212 : i32 to index
    %get3A_215 = arith.constant 0 : index
    %get3A_216 = tpu.vector_load %arg5[%get3A_213, %get3A_214, %get3A_215] {strides = array<i32>} : memref<32x2x128xf32, #tpu.memory_space<vmem>>, vector<16xf32>,
    %max3A_217 = arith.maximumf %max3A_203, %get3A_216 : vector<16xf32>
    %get3A_218 = arith.constant 15 : i32
    %get3A_219 = arith.constant 1 : i32
    %get3A_220 = arith.index_cast %get3A_218 : i32 to index
    %get3A_221 = arith.index_cast %get3A_219 : i32 to index
    %get3A_222 = arith.constant 0 : index
    %get3A_223 = tpu.vector_load %arg5[%get3A_220, %get3A_221, %get3A_222] {strides = array<i32>} : memref<32x2x128xf32, #tpu.memory_space<vmem>>, vector<16xf32>,
    %min3A_224 = arith.minimumf %min3A_210, %get3A_223 : vector<16xf32>
    %get3A_225 = arith.constant 16 : i32
    %get3A_226 = arith.constant 0 : i32
    %get3A_227 = arith.index_cast %get3A_225 : i32 to index
    %get3A_228 = arith.index_cast %get3A_226 : i32 to index
    %get3A_229 = arith.constant 0 : index
    %get3A_230 = tpu.vector_load %arg5[%get3A_227, %get3A_228, %get3A_229] {strides = array<i32>} : memref<32x2x128xf32, #tpu.memory_space<vmem>>, vector<16xf32>,
    %max3A_231 = arith.maximumf %max3A_217, %get3A_230 : vector<16xf32>
    %get3A_232 = arith.constant 16 : i32
    %get3A_233 = arith.constant 1 : i32
    %get3A_234 = arith.index_cast %get3A_232 : i32 to index
    %get3A_235 = arith.index_cast %get3A_233 : i32 to index
    %get3A_236 = arith.constant 0 : index
    %get3A_237 = tpu.vector_load %arg5[%get3A_234, %get3A_235, %get3A_236] {strides = array<i32>} : memref<32x2x128xf32, #tpu.memory_space<vmem>>, vector<16xf32>,
    %min3A_238 = arith.minimumf %min3A_224, %get3A_237 : vector<16xf32>
    %get3A_239 = arith.constant 17 : i32
    %get3A_240 = arith.constant 0 : i32
    %get3A_241 = arith.index_cast %get3A_239 : i32 to index
    %get3A_242 = arith.index_cast %get3A_240 : i32 to index
    %get3A_243 = arith.constant 0 : index
    %get3A_244 = tpu.vector_load %arg5[%get3A_241, %get3A_242, %get3A_243] {strides = array<i32>} : memref<32x2x128xf32, #tpu.memory_space<vmem>>, vector<16xf32>,
    %max3A_245 = arith.maximumf %max3A_231, %get3A_244 : vector<16xf32>
    %get3A_246 = arith.constant 17 : i32
    %get3A_247 = arith.constant 1 : i32
    %get3A_248 = arith.index_cast %get3A_246 : i32 to index
    %get3A_249 = arith.index_cast %get3A_247 : i32 to index
    %get3A_250 = arith.constant 0 : index
    %get3A_251 = tpu.vector_load %arg5[%get3A_248, %get3A_249, %get3A_250] {strides = array<i32>} : memref<32x2x128xf32, #tpu.memory_space<vmem>>, vector<16xf32>,
    %min3A_252 = arith.minimumf %min3A_238, %get3A_251 : vector<16xf32>
    %get3A_253 = arith.constant 18 : i32
    %get3A_254 = arith.constant 0 : i32
    %get3A_255 = arith.index_cast %get3A_253 : i32 to index
    %get3A_256 = arith.index_cast %get3A_254 : i32 to index
    %get3A_257 = arith.constant 0 : index
    %get3A_258 = tpu.vector_load %arg5[%get3A_255, %get3A_256, %get3A_257] {strides = array<i32>} : memref<32x2x128xf32, #tpu.memory_space<vmem>>, vector<16xf32>,
    %max3A_259 = arith.maximumf %max3A_245, %get3A_258 : vector<16xf32>
    %get3A_260 = arith.constant 18 : i32
    %get3A_261 = arith.constant 1 : i32
    %get3A_262 = arith.index_cast %get3A_260 : i32 to index
    %get3A_263 = arith.index_cast %get3A_261 : i32 to index
    %get3A_264 = arith.constant 0 : index
    %get3A_265 = tpu.vector_load %arg5[%get3A_262, %get3A_263, %get3A_264] {strides = array<i32>} : memref<32x2x128xf32, #tpu.memory_space<vmem>>, vector<16xf32>,
    %min3A_266 = arith.minimumf %min3A_252, %get3A_265 : vector<16xf32>
    %get3A_267 = arith.constant 19 : i32
    %get3A_268 = arith.constant 0 : i32
    %get3A_269 = arith.index_cast %get3A_267 : i32 to index
    %get3A_270 = arith.index_cast %get3A_268 : i32 to index
    %get3A_271 = arith.constant 0 : index
    %get3A_272 = tpu.vector_load %arg5[%get3A_269, %get3A_270, %get3A_271] {strides = array<i32>} : memref<32x2x128xf32, #tpu.memory_space<vmem>>, vector<16xf32>,
    %max3A_273 = arith.maximumf %max3A_259, %get3A_272 : vector<16xf32>
    %get3A_274 = arith.constant 19 : i32
    %get3A_275 = arith.constant 1 : i32
    %get3A_276 = arith.index_cast %get3A_274 : i32 to index
    %get3A_277 = arith.index_cast %get3A_275 : i32 to index
    %get3A_278 = arith.constant 0 : index
    %get3A_279 = tpu.vector_load %arg5[%get3A_276, %get3A_277, %get3A_278] {strides = array<i32>} : memref<32x2x128xf32, #tpu.memory_space<vmem>>, vector<16xf32>,
    %min3A_280 = arith.minimumf %min3A_266, %get3A_279 : vector<16xf32>
    %get3A_281 = arith.constant 20 : i32
    %get3A_282 = arith.constant 0 : i32
    %get3A_283 = arith.index_cast %get3A_281 : i32 to index
    %get3A_284 = arith.index_cast %get3A_282 : i32 to index
    %get3A_285 = arith.constant 0 : index
    %get3A_286 = tpu.vector_load %arg5[%get3A_283, %get3A_284, %get3A_285] {strides = array<i32>} : memref<32x2x128xf32, #tpu.memory_space<vmem>>, vector<16xf32>,
    %max3A_287 = arith.maximumf %max3A_273, %get3A_286 : vector<16xf32>
    %get3A_288 = arith.constant 20 : i32
    %get3A_289 = arith.constant 1 : i32
    %get3A_290 = arith.index_cast %get3A_288 : i32 to index
    %get3A_291 = arith.index_cast %get3A_289 : i32 to index
    %get3A_292 = arith.constant 0 : index
    %get3A_293 = tpu.vector_load %arg5[%get3A_290, %get3A_291, %get3A_292] {strides = array<i32>} : memref<32x2x128xf32, #tpu.memory_space<vmem>>, vector<16xf32>,
    %min3A_294 = arith.minimumf %min3A_280, %get3A_293 : vector<16xf32>
    %get3A_295 = arith.constant 21 : i32
    %get3A_296 = arith.constant 0 : i32
    %get3A_297 = arith.index_cast %get3A_295 : i32 to index
    %get3A_298 = arith.index_cast %get3A_296 : i32 to index
    %get3A_299 = arith.constant 0 : index
    %get3A_300 = tpu.vector_load %arg5[%get3A_297, %get3A_298, %get3A_299] {strides = array<i32>} : memref<32x2x128xf32, #tpu.memory_space<vmem>>, vector<16xf32>,
    %max3A_301 = arith.maximumf %max3A_287, %get3A_300 : vector<16xf32>
    %get3A_302 = arith.constant 21 : i32
    %get3A_303 = arith.constant 1 : i32
    %get3A_304 = arith.index_cast %get3A_302 : i32 to index
    %get3A_305 = arith.index_cast %get3A_303 : i32 to index
    %get3A_306 = arith.constant 0 : index
    %get3A_307 = tpu.vector_load %arg5[%get3A_304, %get3A_305, %get3A_306] {strides = array<i32>} : memref<32x2x128xf32, #tpu.memory_space<vmem>>, vector<16xf32>,
    %min3A_308 = arith.minimumf %min3A_294, %get3A_307 : vector<16xf32>
    %get3A_309 = arith.constant 22 : i32
    %get3A_310 = arith.constant 0 : i32
    %get3A_311 = arith.index_cast %get3A_309 : i32 to index
    %get3A_312 = arith.index_cast %get3A_310 : i32 to index
    %get3A_313 = arith.constant 0 : index
    %get3A_314 = tpu.vector_load %arg5[%get3A_311, %get3A_312, %get3A_313] {strides = array<i32>} : memref<32x2x128xf32, #tpu.memory_space<vmem>>, vector<16xf32>,
    %max3A_315 = arith.maximumf %max3A_301, %get3A_314 : vector<16xf32>
    %get3A_316 = arith.constant 22 : i32
    %get3A_317 = arith.constant 1 : i32
    %get3A_318 = arith.index_cast %get3A_316 : i32 to index
    %get3A_319 = arith.index_cast %get3A_317 : i32 to index
    %get3A_320 = arith.constant 0 : index
    %get3A_321 = tpu.vector_load %arg5[%get3A_318, %get3A_319, %get3A_320] {strides = array<i32>} : memref<32x2x128xf32, #tpu.memory_space<vmem>>, vector<16xf32>,
    %min3A_322 = arith.minimumf %min3A_308, %get3A_321 : vector<16xf32>
    %get3A_323 = arith.constant 23 : i32
    %get3A_324 = arith.constant 0 : i32
    %get3A_325 = arith.index_cast %get3A_323 : i32 to index
    %get3A_326 = arith.index_cast %get3A_324 : i32 to index
    %get3A_327 = arith.constant 0 : index
    %get3A_328 = tpu.vector_load %arg5[%get3A_325, %get3A_326, %get3A_327] {strides = array<i32>} : memref<32x2x128xf32, #tpu.memory_space<vmem>>, vector<16xf32>,
    %max3A_329 = arith.maximumf %max3A_315, %get3A_328 : vector<16xf32>
    %get3A_330 = arith.constant 23 : i32
    %get3A_331 = arith.constant 1 : i32
    %get3A_332 = arith.index_cast %get3A_330 : i32 to index
    %get3A_333 = arith.index_cast %get3A_331 : i32 to index
    %get3A_334 = arith.constant 0 : index
    %get3A_335 = tpu.vector_load %arg5[%get3A_332, %get3A_333, %get3A_334] {strides = array<i32>} : memref<32x2x128xf32, #tpu.memory_space<vmem>>, vector<16xf32>,
    %min3A_336 = arith.minimumf %min3A_322, %get3A_335 : vector<16xf32>
    %get3A_337 = arith.constant 24 : i32
    %get3A_338 = arith.constant 0 : i32
    %get3A_339 = arith.index_cast %get3A_337 : i32 to index
    %get3A_340 = arith.index_cast %get3A_338 : i32 to index
    %get3A_341 = arith.constant 0 : index
    %get3A_342 = tpu.vector_load %arg5[%get3A_339, %get3A_340, %get3A_341] {strides = array<i32>} : memref<32x2x128xf32, #tpu.memory_space<vmem>>, vector<16xf32>,
    %max3A_343 = arith.maximumf %max3A_329, %get3A_342 : vector<16xf32>
    %get3A_344 = arith.constant 24 : i32
    %get3A_345 = arith.constant 1 : i32
    %get3A_346 = arith.index_cast %get3A_344 : i32 to index
    %get3A_347 = arith.index_cast %get3A_345 : i32 to index
    %get3A_348 = arith.constant 0 : index
    %get3A_349 = tpu.vector_load %arg5[%get3A_346, %get3A_347, %get3A_348] {strides = array<i32>} : memref<32x2x128xf32, #tpu.memory_space<vmem>>, vector<16xf32>,
    %min3A_350 = arith.minimumf %min3A_336, %get3A_349 : vector<16xf32>
    %get3A_351 = arith.constant 25 : i32
    %get3A_352 = arith.constant 0 : i32
    %get3A_353 = arith.index_cast %get3A_351 : i32 to index
    %get3A_354 = arith.index_cast %get3A_352 : i32 to index
    %get3A_355 = arith.constant 0 : index
    %get3A_356 = tpu.vector_load %arg5[%get3A_353, %get3A_354, %get3A_355] {strides = array<i32>} : memref<32x2x128xf32, #tpu.memory_space<vmem>>, vector<16xf32>,
    %max3A_357 = arith.maximumf %max3A_343, %get3A_356 : vector<16xf32>
    %get3A_358 = arith.constant 25 : i32
    %get3A_359 = arith.constant 1 : i32
    %get3A_360 = arith.index_cast %get3A_358 : i32 to index
    %get3A_361 = arith.index_cast %get3A_359 : i32 to index
    %get3A_362 = arith.constant 0 : index
    %get3A_363 = tpu.vector_load %arg5[%get3A_360, %get3A_361, %get3A_362] {strides = array<i32>} : memref<32x2x128xf32, #tpu.memory_space<vmem>>, vector<16xf32>,
    %min3A_364 = arith.minimumf %min3A_350, %get3A_363 : vector<16xf32>
    %get3A_365 = arith.constant 26 : i32
    %get3A_366 = arith.constant 0 : i32
    %get3A_367 = arith.index_cast %get3A_365 : i32 to index
    %get3A_368 = arith.index_cast %get3A_366 : i32 to index
    %get3A_369 = arith.constant 0 : index
    %get3A_370 = tpu.vector_load %arg5[%get3A_367, %get3A_368, %get3A_369] {strides = array<i32>} : memref<32x2x128xf32, #tpu.memory_space<vmem>>, vector<16xf32>,
    %max3A_371 = arith.maximumf %max3A_357, %get3A_370 : vector<16xf32>
    %get3A_372 = arith.constant 26 : i32
    %get3A_373 = arith.constant 1 : i32
    %get3A_374 = arith.index_cast %get3A_372 : i32 to index
    %get3A_375 = arith.index_cast %get3A_373 : i32 to index
    %get3A_376 = arith.constant 0 : index
    %get3A_377 = tpu.vector_load %arg5[%get3A_374, %get3A_375, %get3A_376] {strides = array<i32>} : memref<32x2x128xf32, #tpu.memory_space<vmem>>, vector<16xf32>,
    %min3A_378 = arith.minimumf %min3A_364, %get3A_377 : vector<16xf32>
    %get3A_379 = arith.constant 27 : i32
    %get3A_380 = arith.constant 0 : i32
    %get3A_381 = arith.index_cast %get3A_379 : i32 to index
    %get3A_382 = arith.index_cast %get3A_380 : i32 to index
    %get3A_383 = arith.constant 0 : index
    %get3A_384 = tpu.vector_load %arg5[%get3A_381, %get3A_382, %get3A_383] {strides = array<i32>} : memref<32x2x128xf32, #tpu.memory_space<vmem>>, vector<16xf32>,
    %max3A_385 = arith.maximumf %max3A_371, %get3A_384 : vector<16xf32>
    %get3A_386 = arith.constant 27 : i32
    %get3A_387 = arith.constant 1 : i32
    %get3A_388 = arith.index_cast %get3A_386 : i32 to index
    %get3A_389 = arith.index_cast %get3A_387 : i32 to index
    %get3A_390 = arith.constant 0 : index
    %get3A_391 = tpu.vector_load %arg5[%get3A_388, %get3A_389, %get3A_390] {strides = array<i32>} : memref<32x2x128xf32, #tpu.memory_space<vmem>>, vector<16xf32>,
    %min3A_392 = arith.minimumf %min3A_378, %get3A_391 : vector<16xf32>
    %get3A_393 = arith.constant 28 : i32
    %get3A_394 = arith.constant 0 : i32
    %get3A_395 = arith.index_cast %get3A_393 : i32 to index
    %get3A_396 = arith.index_cast %get3A_394 : i32 to index
    %get3A_397 = arith.constant 0 : index
    %get3A_398 = tpu.vector_load %arg5[%get3A_395, %get3A_396, %get3A_397] {strides = array<i32>} : memref<32x2x128xf32, #tpu.memory_space<vmem>>, vector<16xf32>,
    %max3A_399 = arith.maximumf %max3A_385, %get3A_398 : vector<16xf32>
    %get3A_400 = arith.constant 28 : i32
    %get3A_401 = arith.constant 1 : i32
    %get3A_402 = arith.index_cast %get3A_400 : i32 to index
    %get3A_403 = arith.index_cast %get3A_401 : i32 to index
    %get3A_404 = arith.constant 0 : index
    %get3A_405 = tpu.vector_load %arg5[%get3A_402, %get3A_403, %get3A_404] {strides = array<i32>} : memref<32x2x128xf32, #tpu.memory_space<vmem>>, vector<16xf32>,
    %min3A_406 = arith.minimumf %min3A_392, %get3A_405 : vector<16xf32>
    %get3A_407 = arith.constant 29 : i32
    %get3A_408 = arith.constant 0 : i32
    %get3A_409 = arith.index_cast %get3A_407 : i32 to index
    %get3A_410 = arith.index_cast %get3A_408 : i32 to index
    %get3A_411 = arith.constant 0 : index
    %get3A_412 = tpu.vector_load %arg5[%get3A_409, %get3A_410, %get3A_411] {strides = array<i32>} : memref<32x2x128xf32, #tpu.memory_space<vmem>>, vector<16xf32>,
    %max3A_413 = arith.maximumf %max3A_399, %get3A_412 : vector<16xf32>
    %get3A_414 = arith.constant 29 : i32
    %get3A_415 = arith.constant 1 : i32
    %get3A_416 = arith.index_cast %get3A_414 : i32 to index
    %get3A_417 = arith.index_cast %get3A_415 : i32 to index
    %get3A_418 = arith.constant 0 : index
    %get3A_419 = tpu.vector_load %arg5[%get3A_416, %get3A_417, %get3A_418] {strides = array<i32>} : memref<32x2x128xf32, #tpu.memory_space<vmem>>, vector<16xf32>,
    %min3A_420 = arith.minimumf %min3A_406, %get3A_419 : vector<16xf32>
    %get3A_421 = arith.constant 30 : i32
    %get3A_422 = arith.constant 0 : i32
    %get3A_423 = arith.index_cast %get3A_421 : i32 to index
    %get3A_424 = arith.index_cast %get3A_422 : i32 to index
    %get3A_425 = arith.constant 0 : index
    %get3A_426 = tpu.vector_load %arg5[%get3A_423, %get3A_424, %get3A_425] {strides = array<i32>} : memref<32x2x128xf32, #tpu.memory_space<vmem>>, vector<16xf32>,
    %max3A_427 = arith.maximumf %max3A_413, %get3A_426 : vector<16xf32>
    %get3A_428 = arith.constant 30 : i32
    %get3A_429 = arith.constant 1 : i32
    %get3A_430 = arith.index_cast %get3A_428 : i32 to index
    %get3A_431 = arith.index_cast %get3A_429 : i32 to index
    %get3A_432 = arith.constant 0 : index
    %get3A_433 = tpu.vector_load %arg5[%get3A_430, %get3A_431, %get3A_432] {strides = array<i32>} : memref<32x2x128xf32, #tpu.memory_space<vmem>>, vector<16xf32>,
    %min3A_434 = arith.minimumf %min3A_420, %get3A_433 : vector<16xf32>
    %get3A_435 = arith.constant 31 : i32
    %get3A_436 = arith.constant 0 : i32
    %get3A_437 = arith.index_cast %get3A_435 : i32 to index
    %get3A_438 = arith.index_cast %get3A_436 : i32 to index
    %get3A_439 = arith.constant 0 : index
    %get3A_440 = tpu.vector_load %arg5[%get3A_437, %get3A_438, %get3A_439] {strides = array<i32>} : memref<32x2x128xf32, #tpu.memory_space<vmem>>, vector<16xf32>,
    %max3A_441 = arith.maximumf %max3A_427, %get3A_440 : vector<16xf32>
    %get3A_442 = arith.constant 31 : i32
    %get3A_443 = arith.constant 1 : i32
    %get3A_444 = arith.index_cast %get3A_442 : i32 to index
    %get3A_445 = arith.index_cast %get3A_443 : i32 to index
    %get3A_446 = arith.constant 0 : index
    %get3A_447 = tpu.vector_load %arg5[%get3A_444, %get3A_445, %get3A_446] {strides = array<i32>} : memref<32x2x128xf32, #tpu.memory_space<vmem>>, vector<16xf32>,
    %min3A_448 = arith.minimumf %min3A_434, %get3A_447 : vector<16xf32>
    %broadcast_in_dim3A_449 = arith.constant 8.192000e+03 : f32
    %broadcast_in_dim3A_450 = vector.broadcast %broadcast_in_dim3A_449 : f32 to vector<16xf32>
    %sub3A = arith.subf %max3A_441, %min3A_448 : vector<16xf32>
    %broadcast_in_dim3A_451 = arith.constant 1.000000e-30 : f32
    %broadcast_in_dim3A_452 = vector.broadcast %broadcast_in_dim3A_451 : f32 to vector<16xf32>
    %max3A_453 = arith.maximumf %sub3A, %broadcast_in_dim3A_452 : vector<16xf32>
    %div3A = arith.divf %broadcast_in_dim3A_450, %max3A_453 : vector<16xf32>
    %broadcast_in_dim3A_454 = arith.constant 0.000000e+00 : f32
    %broadcast_in_dim3A_455 = vector.broadcast %broadcast_in_dim3A_454 : f32 to vector<16xf32>
    %scan3A = arith.constant 0 : i32
    %scan3A_456 = arith.constant 0 : i32
    %scan3A_457 = arith.constant 512 : i32
    %scan3A_458 = arith.addi %scan3A_456, %scan3A_457 : i32
    %scan3A_459 = arith.constant 1 : i32
    scf.for %scan3A_473 = %scan3A_456 to %scan3A_458 step %scan3A_459  : i32 {
      %mul3A_474 = arith.constant 16 : i32
      %mul3A_475 = arith.muli %scan3A_473, %mul3A_474 : i32
      %swap3A = arith.index_cast %mul3A_475 : i32 to index
      %swap3A_476 = tpu.vector_load %arg8[%swap3A] {strides = array<i32>} : memref<8192xf32, #tpu.memory_space<vmem>>, vector<16xf32>,
      tpu.vector_store %arg8[%swap3A], %broadcast_in_dim3A_455 {strides = array<i32>} : memref<8192xf32, #tpu.memory_space<vmem>>, vector<16xf32>,
    }
    %scan3A_460 = arith.constant 512 : i32
    %broadcast_in_dim3A_461 = arith.constant 1.000000e+00 : f32
    %broadcast_in_dim3A_462 = vector.broadcast %broadcast_in_dim3A_461 : f32 to vector<16xf32>
    %broadcast_in_dim3A_463 = arith.constant 8191 : i32
    %broadcast_in_dim3A_464 = vector.broadcast %broadcast_in_dim3A_463 : i32 to vector<16xi32>
    %mul3A_465 = arith.constant 131072 : i32
    %mul3A_466 = arith.muli %arg1, %mul3A_465 : i32
    %scan3A_467 = arith.constant 0 : i32
    %scan3A_468 = arith.constant 0 : i32
    %scan3A_469 = arith.constant 8 : i32
    %scan3A_470 = arith.addi %scan3A_468, %scan3A_469 : i32
    %scan3A_471 = arith.constant 1 : i32
    scf.for %scan3A_473 = %scan3A_468 to %scan3A_470 step %scan3A_471  : i32 {
      %add3A = arith.addi %mul3A_0, %mul3A_466 : i32
      %mul3A_474 = arith.constant 16384 : i32
      %mul3A_475 = arith.muli %scan3A_473, %mul3A_474 : i32
      %add3A_476 = arith.addi %add3A, %mul3A_475 : i32
      "tpu.region"() ({
        %run_scoped3A = tpu.sem_alloc : memref<!tpu.dma_semaphore, #tpu.memory_space<semaphore_mem>>
        %dma_start3A = tpu.memref_slice %arg2[%add3A_476] : memref<4194304xf32, #tpu.memory_space<hbm>> -> memref<16384xf32, #tpu.memory_space<hbm>>
        %dma_start3A_483 = tpu.memref_slice %arg2[%add3A_476] : memref<4194304xf32, #tpu.memory_space<hbm>> -> memref<16384xf32, #tpu.memory_space<hbm>>
        tpu.enqueue_dma source(%dma_start3A_483 : memref<16384xf32, #tpu.memory_space<hbm>>) target(%arg6 : memref<16384xf32, #tpu.memory_space<vmem>>) target_semaphore(%run_scoped3A : memref<!tpu.dma_semaphore, #tpu.memory_space<semaphore_mem>>)
        %dma_wait3A = tpu.memref_slice %arg2[%add3A_476] : memref<4194304xf32, #tpu.memory_space<hbm>> -> memref<16384xf32, #tpu.memory_space<hbm>>
        %dma_wait3A_484 = tpu.memref_slice %arg2[%add3A_476] : memref<4194304xf32, #tpu.memory_space<hbm>> -> memref<16384xf32, #tpu.memory_space<hbm>>
        tpu.wait_dma2 semaphore(%run_scoped3A : memref<!tpu.dma_semaphore, #tpu.memory_space<semaphore_mem>>) src(%dma_wait3A_484 : memref<16384xf32, #tpu.memory_space<hbm>>) dst(%arg6 : memref<16384xf32, #tpu.memory_space<vmem>>)
        tpu.yield
      }) : () -> ()
      %scan3A_477 = arith.constant 0 : i32
      %scan3A_478 = arith.constant 0 : i32
      %scan3A_479 = arith.constant 128 : i32
      %scan3A_480 = arith.addi %scan3A_478, %scan3A_479 : i32
      %scan3A_481 = arith.constant 1 : i32
      scf.for %scan3A_483 = %scan3A_478 to %scan3A_480 step %scan3A_481  : i32 {
        %mul3A_484 = arith.constant 128 : i32
        %mul3A_485 = arith.muli %scan3A_483, %mul3A_484 : i32
        %add3A_486 = arith.constant 0 : i32
        %add3A_487 = arith.addi %mul3A_485, %add3A_486 : i32
        %get3A_488 = arith.index_cast %add3A_487 : i32 to index
        %get3A_489 = tpu.vector_load %arg6[%get3A_488] {strides = array<i32>} : memref<16384xf32, #tpu.memory_space<vmem>>, vector<16xf32>,
        %sub3A_490 = arith.subf %get3A_489, %min3A_448 : vector<16xf32>
        %mul3A_491 = arith.mulf %sub3A_490, %div3A : vector<16xf32>
        %convert_element_type3A = arith.fptosi %mul3A_491 : vector<16xf32> to vector<16xi32>
        %min3A_492 = arith.minsi %convert_element_type3A, %broadcast_in_dim3A_464 : vector<16xi32>
        tpu.vector_store_idx %arg8[%min3A_492], %broadcast_in_dim3A_462 {add = true} : memref<8192xf32, #tpu.memory_space<vmem>>[vector<16xi32>], vector<16xf32>,
        %mul3A_493 = arith.constant 128 : i32
        %mul3A_494 = arith.muli %scan3A_483, %mul3A_493 : i32
        %add3A_495 = arith.constant 16 : i32
        %add3A_496 = arith.addi %mul3A_494, %add3A_495 : i32
        %get3A_497 = arith.index_cast %add3A_496 : i32 to index
        %get3A_498 = tpu.vector_load %arg6[%get3A_497] {strides = array<i32>} : memref<16384xf32, #tpu.memory_space<vmem>>, vector<16xf32>,
        %sub3A_499 = arith.subf %get3A_498, %min3A_448 : vector<16xf32>
        %mul3A_500 = arith.mulf %sub3A_499, %div3A : vector<16xf32>
        %convert_element_type3A_501 = arith.fptosi %mul3A_500 : vector<16xf32> to vector<16xi32>
        %min3A_502 = arith.minsi %convert_element_type3A_501, %broadcast_in_dim3A_464 : vector<16xi32>
        tpu.vector_store_idx %arg8[%min3A_502], %broadcast_in_dim3A_462 {add = true} : memref<8192xf32, #tpu.memory_space<vmem>>[vector<16xi32>], vector<16xf32>,
        %mul3A_503 = arith.constant 128 : i32
        %mul3A_504 = arith.muli %scan3A_483, %mul3A_503 : i32
        %add3A_505 = arith.constant 32 : i32
        %add3A_506 = arith.addi %mul3A_504, %add3A_505 : i32
        %get3A_507 = arith.index_cast %add3A_506 : i32 to index
        %get3A_508 = tpu.vector_load %arg6[%get3A_507] {strides = array<i32>} : memref<16384xf32, #tpu.memory_space<vmem>>, vector<16xf32>,
        %sub3A_509 = arith.subf %get3A_508, %min3A_448 : vector<16xf32>
        %mul3A_510 = arith.mulf %sub3A_509, %div3A : vector<16xf32>
        %convert_element_type3A_511 = arith.fptosi %mul3A_510 : vector<16xf32> to vector<16xi32>
        %min3A_512 = arith.minsi %convert_element_type3A_511, %broadcast_in_dim3A_464 : vector<16xi32>
        tpu.vector_store_idx %arg8[%min3A_512], %broadcast_in_dim3A_462 {add = true} : memref<8192xf32, #tpu.memory_space<vmem>>[vector<16xi32>], vector<16xf32>,
        %mul3A_513 = arith.constant 128 : i32
        %mul3A_514 = arith.muli %scan3A_483, %mul3A_513 : i32
        %add3A_515 = arith.constant 48 : i32
        %add3A_516 = arith.addi %mul3A_514, %add3A_515 : i32
        %get3A_517 = arith.index_cast %add3A_516 : i32 to index
        %get3A_518 = tpu.vector_load %arg6[%get3A_517] {strides = array<i32>} : memref<16384xf32, #tpu.memory_space<vmem>>, vector<16xf32>,
        %sub3A_519 = arith.subf %get3A_518, %min3A_448 : vector<16xf32>
        %mul3A_520 = arith.mulf %sub3A_519, %div3A : vector<16xf32>
        %convert_element_type3A_521 = arith.fptosi %mul3A_520 : vector<16xf32> to vector<16xi32>
        %min3A_522 = arith.minsi %convert_element_type3A_521, %broadcast_in_dim3A_464 : vector<16xi32>
        tpu.vector_store_idx %arg8[%min3A_522], %broadcast_in_dim3A_462 {add = true} : memref<8192xf32, #tpu.memory_space<vmem>>[vector<16xi32>], vector<16xf32>,
        %mul3A_523 = arith.constant 128 : i32
        %mul3A_524 = arith.muli %scan3A_483, %mul3A_523 : i32
        %add3A_525 = arith.constant 64 : i32
        %add3A_526 = arith.addi %mul3A_524, %add3A_525 : i32
        %get3A_527 = arith.index_cast %add3A_526 : i32 to index
        %get3A_528 = tpu.vector_load %arg6[%get3A_527] {strides = array<i32>} : memref<16384xf32, #tpu.memory_space<vmem>>, vector<16xf32>,
        %sub3A_529 = arith.subf %get3A_528, %min3A_448 : vector<16xf32>
        %mul3A_530 = arith.mulf %sub3A_529, %div3A : vector<16xf32>
        %convert_element_type3A_531 = arith.fptosi %mul3A_530 : vector<16xf32> to vector<16xi32>
        %min3A_532 = arith.minsi %convert_element_type3A_531, %broadcast_in_dim3A_464 : vector<16xi32>
        tpu.vector_store_idx %arg8[%min3A_532], %broadcast_in_dim3A_462 {add = true} : memref<8192xf32, #tpu.memory_space<vmem>>[vector<16xi32>], vector<16xf32>,
        %mul3A_533 = arith.constant 128 : i32
        %mul3A_534 = arith.muli %scan3A_483, %mul3A_533 : i32
        %add3A_535 = arith.constant 80 : i32
        %add3A_536 = arith.addi %mul3A_534, %add3A_535 : i32
        %get3A_537 = arith.index_cast %add3A_536 : i32 to index
        %get3A_538 = tpu.vector_load %arg6[%get3A_537] {strides = array<i32>} : memref<16384xf32, #tpu.memory_space<vmem>>, vector<16xf32>,
        %sub3A_539 = arith.subf %get3A_538, %min3A_448 : vector<16xf32>
        %mul3A_540 = arith.mulf %sub3A_539, %div3A : vector<16xf32>
        %convert_element_type3A_541 = arith.fptosi %mul3A_540 : vector<16xf32> to vector<16xi32>
        %min3A_542 = arith.minsi %convert_element_type3A_541, %broadcast_in_dim3A_464 : vector<16xi32>
        tpu.vector_store_idx %arg8[%min3A_542], %broadcast_in_dim3A_462 {add = true} : memref<8192xf32, #tpu.memory_space<vmem>>[vector<16xi32>], vector<16xf32>,
        %mul3A_543 = arith.constant 128 : i32
        %mul3A_544 = arith.muli %scan3A_483, %mul3A_543 : i32
        %add3A_545 = arith.constant 96 : i32
        %add3A_546 = arith.addi %mul3A_544, %add3A_545 : i32
        %get3A_547 = arith.index_cast %add3A_546 : i32 to index
        %get3A_548 = tpu.vector_load %arg6[%get3A_547] {strides = array<i32>} : memref<16384xf32, #tpu.memory_space<vmem>>, vector<16xf32>,
        %sub3A_549 = arith.subf %get3A_548, %min3A_448 : vector<16xf32>
        %mul3A_550 = arith.mulf %sub3A_549, %div3A : vector<16xf32>
        %convert_element_type3A_551 = arith.fptosi %mul3A_550 : vector<16xf32> to vector<16xi32>
        %min3A_552 = arith.minsi %convert_element_type3A_551, %broadcast_in_dim3A_464 : vector<16xi32>
        tpu.vector_store_idx %arg8[%min3A_552], %broadcast_in_dim3A_462 {add = true} : memref<8192xf32, #tpu.memory_space<vmem>>[vector<16xi32>], vector<16xf32>,
        %mul3A_553 = arith.constant 128 : i32
        %mul3A_554 = arith.muli %scan3A_483, %mul3A_553 : i32
        %add3A_555 = arith.constant 112 : i32
        %add3A_556 = arith.addi %mul3A_554, %add3A_555 : i32
        %get3A_557 = arith.index_cast %add3A_556 : i32 to index
        %get3A_558 = tpu.vector_load %arg6[%get3A_557] {strides = array<i32>} : memref<16384xf32, #tpu.memory_space<vmem>>, vector<16xf32>,
        %sub3A_559 = arith.subf %get3A_558, %min3A_448 : vector<16xf32>
        %mul3A_560 = arith.mulf %sub3A_559, %div3A : vector<16xf32>
        %convert_element_type3A_561 = arith.fptosi %mul3A_560 : vector<16xf32> to vector<16xi32>
        %min3A_562 = arith.minsi %convert_element_type3A_561, %broadcast_in_dim3A_464 : vector<16xi32>
        tpu.vector_store_idx %arg8[%min3A_562], %broadcast_in_dim3A_462 {add = true} : memref<8192xf32, #tpu.memory_space<vmem>>[vector<16xi32>], vector<16xf32>,
      }
      %scan3A_482 = arith.constant 128 : i32
    }
    %scan3A_472 = arith.constant 8 : i32
    "tpu.region"() ({
      %run_scoped3A = tpu.sem_alloc : memref<!tpu.dma_semaphore, #tpu.memory_space<semaphore_mem>>
      %dma_start3A = arith.constant 0 : i32
      %dma_start3A_473 = tpu.memref_slice %arg4[%arg0, %arg1, %dma_start3A] : memref<2x16x8192xf32, #tpu.memory_space<hbm>> -> memref<1x1x8192xf32, #tpu.memory_space<hbm>>
      %dma_start3A_474 = tpu.memref_squeeze %dma_start3A_473 : memref<1x1x8192xf32, #tpu.memory_space<hbm>> -> memref<8192xf32, #tpu.memory_space<hbm>>
      %dma_start3A_475 = arith.constant 0 : i32
      %dma_start3A_476 = tpu.memref_slice %arg4[%arg0, %arg1, %dma_start3A_475] : memref<2x16x8192xf32, #tpu.memory_space<hbm>> -> memref<1x1x8192xf32, #tpu.memory_space<hbm>>
      %dma_start3A_477 = tpu.memref_squeeze %dma_start3A_476 : memref<1x1x8192xf32, #tpu.memory_space<hbm>> -> memref<8192xf32, #tpu.memory_space<hbm>>
      tpu.enqueue_dma source(%arg8 : memref<8192xf32, #tpu.memory_space<vmem>>) target(%dma_start3A_477 : memref<8192xf32, #tpu.memory_space<hbm>>) target_semaphore(%run_scoped3A : memref<!tpu.dma_semaphore, #tpu.memory_space<semaphore_mem>>)
      %dma_wait3A = arith.constant 0 : i32
      %dma_wait3A_478 = tpu.memref_slice %arg4[%arg0, %arg1, %dma_wait3A] : memref<2x16x8192xf32, #tpu.memory_space<hbm>> -> memref<1x1x8192xf32, #tpu.memory_space<hbm>>
      %dma_wait3A_479 = tpu.memref_squeeze %dma_wait3A_478 : memref<1x1x8192xf32, #tpu.memory_space<hbm>> -> memref<8192xf32, #tpu.memory_space<hbm>>
      %dma_wait3A_480 = arith.constant 0 : i32
      %dma_wait3A_481 = tpu.memref_slice %arg4[%arg0, %arg1, %dma_wait3A_480] : memref<2x16x8192xf32, #tpu.memory_space<hbm>> -> memref<1x1x8192xf32, #tpu.memory_space<hbm>>
      %dma_wait3A_482 = tpu.memref_squeeze %dma_wait3A_481 : memref<1x1x8192xf32, #tpu.memory_space<hbm>> -> memref<8192xf32, #tpu.memory_space<hbm>>
      tpu.wait_dma2 semaphore(%run_scoped3A : memref<!tpu.dma_semaphore, #tpu.memory_space<semaphore_mem>>) src(%arg8 : memref<8192xf32, #tpu.memory_space<vmem>>) dst(%dma_wait3A_482 : memref<8192xf32, #tpu.memory_space<hbm>>)
      tpu.yield
    }) : () -> ()
    return
  }
}

module attributes {stable_mosaic.version = 14 : i64} {
  func.func @_final_body(%arg0: memref<2x32x16x128xf32, #tpu.memory_space<vmem>>, %arg1: memref<2x16x64x128xf32, #tpu.memory_space<vmem>>, %arg2: memref<1x1xf32, #tpu.memory_space<vmem>>) attributes {dimension_semantics = [], scalar_prefetch = 0 : i64, scratch_operands = 0 : i64, tpu.core_type = #tpu.core_type<tc>} {
    %get3A = arith.constant 0 : index
    %get3A_0 = arith.constant 0 : index
    %get3A_1 = arith.constant 0 : index
    %get3A_2 = arith.constant 0 : index
    %get3A_3 = vector.load %arg0[%get3A, %get3A_0, %get3A_1, %get3A_2] : memref<2x32x16x128xf32, #tpu.memory_space<vmem>>, vector<2x32x16x128xf32>
    %slice3A = vector.extract_strided_slice %get3A_3 {offsets = [0, 0, 0, 0], sizes = [2, 32, 4, 1], strides = [1, 1, 1, 1]} : vector<2x32x16x128xf32> to vector<2x32x4x1xf32>
    %reduce_sum3A = arith.constant dense<0.000000e+00> : vector<2x4xf32>
    %reduce_sum3A_4 = vector.multi_reduction <add>, %slice3A, %reduce_sum3A [1, 3] : vector<2x32x4x1xf32> to vector<2x4xf32>
    %slice3A_5 = vector.extract_strided_slice %get3A_3 {offsets = [0, 0, 4, 0], sizes = [2, 32, 4, 1], strides = [1, 1, 1, 1]} : vector<2x32x16x128xf32> to vector<2x32x4x1xf32>
    %reduce_sum3A_6 = arith.constant dense<0.000000e+00> : vector<2x4xf32>
    %reduce_sum3A_7 = vector.multi_reduction <add>, %slice3A_5, %reduce_sum3A_6 [1, 3] : vector<2x32x4x1xf32> to vector<2x4xf32>
    %mul3A = arith.constant 2.000000e+00 : f32
    %mul3A_8 = vector.broadcast %mul3A : f32 to vector<2x4xf32>
    %mul3A_9 = arith.mulf %mul3A_8, %reduce_sum3A_4 : vector<2x4xf32>
    %add3A = arith.constant 9.99999997E-7 : f32
    %add3A_10 = vector.broadcast %add3A : f32 to vector<2x4xf32>
    %add3A_11 = arith.addf %reduce_sum3A_7, %add3A_10 : vector<2x4xf32>
    %div3A = arith.divf %mul3A_9, %add3A_11 : vector<2x4xf32>
    %sub3A = arith.constant 1.000000e+00 : f32
    %sub3A_12 = vector.broadcast %sub3A : f32 to vector<2x4xf32>
    %sub3A_13 = arith.subf %sub3A_12, %div3A : vector<2x4xf32>
    %slice3A_14 = vector.extract_strided_slice %sub3A_13 {offsets = [0, 1], sizes = [2, 3], strides = [1, 1]} : vector<2x4xf32> to vector<2x3xf32>
    %reduce_sum3A_15 = vector.shape_cast %slice3A_14 : vector<2x3xf32> to vector<1x2x3xf32>
    %reduce_sum3A_16 = arith.constant dense<0.000000e+00> : vector<1xf32>
    %reduce_sum3A_17 = vector.multi_reduction <add>, %reduce_sum3A_15, %reduce_sum3A_16 [1, 2] : vector<1x2x3xf32> to vector<1xf32>
    %reduce_sum3A_18 = vector.shape_cast %reduce_sum3A_17 : vector<1xf32> to vector<1x1x1xf32>
    %reduce_sum3A_19 = vector.extract %reduce_sum3A_18[0, 0, 0] : f32 from vector<1x1x1xf32>
    %div3A_20 = arith.constant 6.000000e+00 : f32
    %div3A_21 = arith.divf %reduce_sum3A_19, %div3A_20 : f32
    %slice3A_22 = vector.extract_strided_slice %get3A_3 {offsets = [0, 0, 8, 0], sizes = [2, 32, 1, 1], strides = [1, 1, 1, 1]} : vector<2x32x16x128xf32> to vector<2x32x1x1xf32>
    %reduce_max3A = arith.constant dense<0xFF800000> : vector<2x1xf32>
    %reduce_max3A_23 = vector.multi_reduction <maximumf>, %slice3A_22, %reduce_max3A [1, 3] : vector<2x32x1x1xf32> to vector<2x1xf32>
    %slice3A_24 = vector.extract_strided_slice %get3A_3 {offsets = [0, 0, 9, 0], sizes = [2, 32, 1, 1], strides = [1, 1, 1, 1]} : vector<2x32x16x128xf32> to vector<2x32x1x1xf32>
    %reduce_min3A = arith.constant dense<0x7F800000> : vector<2x1xf32>
    %reduce_min3A_25 = vector.multi_reduction <minimumf>, %slice3A_24, %reduce_min3A [1, 3] : vector<2x32x1x1xf32> to vector<2x1xf32>
    %get3A_26 = arith.constant 0 : index
    %get3A_27 = arith.constant 0 : index
    %get3A_28 = arith.constant 0 : index
    %get3A_29 = arith.constant 0 : index
    %get3A_30 = vector.load %arg1[%get3A_26, %get3A_27, %get3A_28, %get3A_29] : memref<2x16x64x128xf32, #tpu.memory_space<vmem>>, vector<2x16x64x128xf32>
    %reduce_sum3A_31 = arith.constant dense<0.000000e+00> : vector<2x64x128xf32>
    %reduce_sum3A_32 = vector.multi_reduction <add>, %get3A_30, %reduce_sum3A_31 [1] : vector<2x16x64x128xf32> to vector<2x64x128xf32>
    %iota3A = tpu.iota {dimensions = array<i32: 0>} : vector<64x128xi32>
    %iota3A_33 = tpu.iota {dimensions = array<i32: 1>} : vector<64x128xi32>
    %mul3A_34 = arith.constant 128 : i32
    %mul3A_35 = vector.broadcast %mul3A_34 : i32 to vector<64x128xi32>
    %mul3A_36 = arith.muli %iota3A, %mul3A_35 : vector<64x128xi32>
    %add3A_37 = arith.addi %mul3A_36, %iota3A_33 : vector<64x128xi32>
    %convert_element_type3A = arith.sitofp %add3A_37 : vector<64x128xi32> to vector<64x128xf32>
    %sub3A_38 = arith.subf %reduce_max3A_23, %reduce_min3A_25 : vector<2x1xf32>
    %max3A = arith.constant 1.000000e-30 : f32
    %max3A_39 = vector.broadcast %max3A : f32 to vector<2x1xf32>
    %max3A_40 = arith.maximumf %sub3A_38, %max3A_39 : vector<2x1xf32>
    %div3A_41 = arith.constant 8.192000e+03 : f32
    %div3A_42 = vector.broadcast %div3A_41 : f32 to vector<2x1xf32>
    %div3A_43 = arith.divf %max3A_40, %div3A_42 : vector<2x1xf32>
    %broadcast_in_dim3A = vector.shape_cast %reduce_min3A_25 : vector<2x1xf32> to vector<2x1x1xf32>
    %add3A_44 = arith.constant 5.000000e-01 : f32
    %add3A_45 = vector.broadcast %add3A_44 : f32 to vector<64x128xf32>
    %add3A_46 = arith.addf %convert_element_type3A, %add3A_45 : vector<64x128xf32>
    %broadcast_in_dim3A_47 = vector.shape_cast %add3A_46 : vector<64x128xf32> to vector<1x64x128xf32>
    %broadcast_in_dim3A_48 = vector.shape_cast %div3A_43 : vector<2x1xf32> to vector<2x1x1xf32>
    %mul3A_49 = vector.broadcast %broadcast_in_dim3A_47 : vector<1x64x128xf32> to vector<2x64x128xf32>
    %mul3A_50 = vector.broadcast %broadcast_in_dim3A_48 : vector<2x1x1xf32> to vector<2x64x128xf32>
    %mul3A_51 = arith.mulf %mul3A_49, %mul3A_50 : vector<2x64x128xf32>
    %add3A_52 = vector.broadcast %broadcast_in_dim3A : vector<2x1x1xf32> to vector<2x64x128xf32>
    %add3A_53 = arith.addf %add3A_52, %mul3A_51 : vector<2x64x128xf32>
    %mul3A_54 = arith.mulf %reduce_sum3A_32, %add3A_53 : vector<2x64x128xf32>
    %reduce_sum3A_55 = arith.constant dense<0.000000e+00> : vector<2x64xf32>
    %reduce_sum3A_56 = vector.multi_reduction <add>, %reduce_sum3A_32, %reduce_sum3A_55 [2] : vector<2x64x128xf32> to vector<2x64xf32>
    %iota3A_57 = tpu.iota {dimensions = array<i32: 0>} : vector<64x64xi32>
    %iota3A_58 = tpu.iota {dimensions = array<i32: 1>} : vector<64x64xi32>
    %gt3A = arith.cmpi sgt, %iota3A_57, %iota3A_58 : vector<64x64xi32>
    %convert_element_type3A_59 = arith.extui %gt3A : vector<64x64xi1> to vector<64x64xi32>
    %convert_element_type3A_60 = arith.sitofp %convert_element_type3A_59 : vector<64x64xi32> to vector<64x64xf32>
    %iota3A_61 = tpu.iota {dimensions = array<i32: 0>} : vector<128x128xi32>
    %iota3A_62 = tpu.iota {dimensions = array<i32: 1>} : vector<128x128xi32>
    %ge3A = arith.cmpi sge, %iota3A_61, %iota3A_62 : vector<128x128xi32>
    %convert_element_type3A_63 = arith.extui %ge3A : vector<128x128xi1> to vector<128x128xi32>
    %convert_element_type3A_64 = arith.sitofp %convert_element_type3A_63 : vector<128x128xi32> to vector<128x128xf32>
    %dot_general3A = arith.constant dense<0.000000e+00> : vector<2x64xf32>
    %dot_general3A_65 = tpu.matmul %reduce_sum3A_56, %convert_element_type3A_60, %dot_general3A {dimension_numbers = #tpu.dot_dimension_numbers<[1], [0], [0], [1], [0, 0, 1, 1], [], []>, precision = #tpu.contract_precision<fp32>, transpose_lhs_hint = false} : vector<2x64xf32>, vector<64x64xf32>, vector<2x64xf32> -> vector<2x64xf32>
    %dot_general3A_66 = arith.constant dense<0.000000e+00> : vector<2x64x128xf32>
    %dot_general3A_67 = tpu.matmul %reduce_sum3A_32, %convert_element_type3A_64, %dot_general3A_66 {dimension_numbers = #tpu.dot_dimension_numbers<[2], [0], [0, 1], [1], [0, 0, 0, 1, 1, 1], [], []>, precision = #tpu.contract_precision<fp32>, transpose_lhs_hint = false} : vector<2x64x128xf32>, vector<128x128xf32>, vector<2x64x128xf32> -> vector<2x64x128xf32>
    %broadcast_in_dim3A_68 = vector.shape_cast %dot_general3A_65 : vector<2x64xf32> to vector<2x64x1xf32>
    %add3A_69 = vector.broadcast %broadcast_in_dim3A_68 : vector<2x64x1xf32> to vector<2x64x128xf32>
    %add3A_70 = arith.addf %add3A_69, %dot_general3A_67 : vector<2x64x128xf32>
    %lt3A = arith.constant 4.194300e+05 : f32
    %lt3A_71 = vector.broadcast %lt3A : f32 to vector<2x64x128xf32>
    %lt3A_72 = arith.cmpf olt, %add3A_70, %lt3A_71 : vector<2x64x128xf32>
    %convert_element_type3A_73 = arith.extui %lt3A_72 : vector<2x64x128xi1> to vector<2x64x128xi32>
    %convert_element_type3A_74 = arith.sitofp %convert_element_type3A_73 : vector<2x64x128xi32> to vector<2x64x128xf32>
    %ge3A_75 = arith.constant 4.194300e+05 : f32
    %ge3A_76 = vector.broadcast %ge3A_75 : f32 to vector<2x64x128xf32>
    %ge3A_77 = arith.cmpf oge, %add3A_70, %ge3A_76 : vector<2x64x128xf32>
    %sub3A_78 = arith.subf %add3A_70, %reduce_sum3A_32 : vector<2x64x128xf32>
    %lt3A_79 = arith.constant 4.194300e+05 : f32
    %lt3A_80 = vector.broadcast %lt3A_79 : f32 to vector<2x64x128xf32>
    %lt3A_81 = arith.cmpf olt, %sub3A_78, %lt3A_80 : vector<2x64x128xf32>
    %and3A = arith.andi %ge3A_77, %lt3A_81 : vector<2x64x128xi1>
    %convert_element_type3A_82 = arith.extui %and3A : vector<2x64x128xi1> to vector<2x64x128xi32>
    %convert_element_type3A_83 = arith.sitofp %convert_element_type3A_82 : vector<2x64x128xi32> to vector<2x64x128xf32>
    %mul3A_84 = arith.mulf %convert_element_type3A_74, %reduce_sum3A_32 : vector<2x64x128xf32>
    %reduce_sum3A_85 = arith.constant dense<0.000000e+00> : vector<2xf32>
    %reduce_sum3A_86 = vector.multi_reduction <add>, %mul3A_84, %reduce_sum3A_85 [1, 2] : vector<2x64x128xf32> to vector<2xf32>
    %mul3A_87 = arith.mulf %convert_element_type3A_74, %mul3A_54 : vector<2x64x128xf32>
    %reduce_sum3A_88 = arith.constant dense<0.000000e+00> : vector<2xf32>
    %reduce_sum3A_89 = vector.multi_reduction <add>, %mul3A_87, %reduce_sum3A_88 [1, 2] : vector<2x64x128xf32> to vector<2xf32>
    %mul3A_90 = arith.mulf %convert_element_type3A_83, %add3A_53 : vector<2x64x128xf32>
    %reduce_sum3A_91 = arith.constant dense<0.000000e+00> : vector<2xf32>
    %reduce_sum3A_92 = vector.multi_reduction <add>, %mul3A_90, %reduce_sum3A_91 [1, 2] : vector<2x64x128xf32> to vector<2xf32>
    %sub3A_93 = arith.constant 4.194300e+05 : f32
    %sub3A_94 = vector.broadcast %sub3A_93 : f32 to vector<2xf32>
    %sub3A_95 = arith.subf %sub3A_94, %reduce_sum3A_86 : vector<2xf32>
    %mul3A_96 = arith.mulf %sub3A_95, %reduce_sum3A_92 : vector<2xf32>
    %add3A_97 = arith.addf %reduce_sum3A_89, %mul3A_96 : vector<2xf32>
    %reduce_sum3A_98 = vector.shape_cast %add3A_97 : vector<2xf32> to vector<1x2xf32>
    %reduce_sum3A_99 = arith.constant dense<0.000000e+00> : vector<1xf32>
    %reduce_sum3A_100 = vector.multi_reduction <add>, %reduce_sum3A_98, %reduce_sum3A_99 [1] : vector<1x2xf32> to vector<1xf32>
    %reduce_sum3A_101 = vector.shape_cast %reduce_sum3A_100 : vector<1xf32> to vector<1x1xf32>
    %reduce_sum3A_102 = vector.extract %reduce_sum3A_101[0, 0] : f32 from vector<1x1xf32>
    %div3A_103 = arith.constant 2.000000e+00 : f32
    %div3A_104 = arith.divf %reduce_sum3A_102, %div3A_103 : f32
    %div3A_105 = arith.constant 4.194300e+05 : f32
    %div3A_106 = arith.divf %div3A_104, %div3A_105 : f32
    %mul3A_107 = arith.constant 5.000000e-01 : f32
    %mul3A_108 = arith.mulf %mul3A_107, %div3A_21 : f32
    %add3A_109 = arith.addf %div3A_106, %mul3A_108 : f32
    %broadcast_in_dim3A_110 = vector.broadcast %add3A_109 : f32 to vector<1x1xf32>
    %swap3A = arith.constant 0 : index
    %swap3A_111 = arith.constant 0 : index
    %swap3A_112 = vector.load %arg2[%swap3A, %swap3A_111] : memref<1x1xf32, #tpu.memory_space<vmem>>, vector<1x1xf32>
    tpu.vector_store %arg2[%swap3A, %swap3A_111], %broadcast_in_dim3A_110 {strides = array<i32>} : memref<1x1xf32, #tpu.memory_space<vmem>>, vector<1x1xf32>,
    return
  }
}

module attributes {stable_mosaic.version = 14 : i64} {
  func.func @_stage1_body(%arg0: i32, %arg1: i32, %arg2: memref<1x4x512x128xf32, #tpu.memory_space<vmem>>, %arg3: memref<1x4x512x128xf32, #tpu.memory_space<vmem>>, %arg4: memref<1x512x128xf32, #tpu.memory_space<vmem>>, %arg5: memref<1x1x16x128xf32, #tpu.memory_space<vmem>>) attributes {dimension_semantics = [#tpu.dimension_semantics<arbitrary>, #tpu.dimension_semantics<arbitrary>], iteration_bounds = array<i64: 2, 32>, scalar_prefetch = 0 : i64, scratch_operands = 0 : i64, tpu.core_type = #tpu.core_type<tc>, window_params = [{transform_indices = @transform_0, window_bounds = array<i64: 1, 4, 512, 128>}, {transform_indices = @transform_1, window_bounds = array<i64: 1, 4, 512, 128>}, {transform_indices = @transform_2, window_bounds = array<i64: 1, 512, 128>}, {transform_indices = @transform_3, window_bounds = array<i64: 1, 1, 16, 128>}]} {
    %get3A = arith.constant 0 : index
    %get3A_0 = arith.constant 0 : index
    %get3A_1 = arith.constant 0 : index
    %get3A_2 = arith.constant 0 : index
    %get3A_3 = vector.load %arg2[%get3A, %get3A_0, %get3A_1, %get3A_2] : memref<1x4x512x128xf32, #tpu.memory_space<vmem>>, vector<1x4x512x128xf32>
    %get3A_4 = vector.shape_cast %get3A_3 : vector<1x4x512x128xf32> to vector<4x512x128xf32>
    %get3A_5 = arith.constant 0 : index
    %get3A_6 = arith.constant 0 : index
    %get3A_7 = arith.constant 0 : index
    %get3A_8 = arith.constant 0 : index
    %get3A_9 = vector.load %arg3[%get3A_5, %get3A_6, %get3A_7, %get3A_8] : memref<1x4x512x128xf32, #tpu.memory_space<vmem>>, vector<1x4x512x128xf32>
    %get3A_10 = vector.shape_cast %get3A_9 : vector<1x4x512x128xf32> to vector<4x512x128xf32>
    %reduce_max3A = arith.constant dense<0xFF800000> : vector<512x128xf32>
    %reduce_max3A_11 = vector.multi_reduction <maximumf>, %get3A_4, %reduce_max3A [0] : vector<4x512x128xf32> to vector<512x128xf32>
    %broadcast_in_dim3A = vector.shape_cast %reduce_max3A_11 : vector<512x128xf32> to vector<1x512x128xf32>
    %sub3A = vector.broadcast %broadcast_in_dim3A : vector<1x512x128xf32> to vector<4x512x128xf32>
    %sub3A_12 = arith.subf %get3A_4, %sub3A : vector<4x512x128xf32>
    %exp3A = math.exp %sub3A_12 : vector<4x512x128xf32>
    %reduce_sum3A = arith.constant dense<0.000000e+00> : vector<512x128xf32>
    %reduce_sum3A_13 = vector.multi_reduction <add>, %exp3A, %reduce_sum3A [0] : vector<4x512x128xf32> to vector<512x128xf32>
    %log3A = math.log %reduce_sum3A_13 : vector<512x128xf32>
    %add3A = arith.addf %log3A, %reduce_max3A_11 : vector<512x128xf32>
    %reduce_max3A_14 = arith.constant dense<0xFF800000> : vector<512x128xf32>
    %reduce_max3A_15 = vector.multi_reduction <maximumf>, %get3A_10, %reduce_max3A_14 [0] : vector<4x512x128xf32> to vector<512x128xf32>
    %slice3A = vector.extract_strided_slice %get3A_10 {offsets = [0, 0, 0], sizes = [1, 512, 128], strides = [1, 1, 1]} : vector<4x512x128xf32> to vector<1x512x128xf32>
    %squeeze3A = vector.shape_cast %slice3A : vector<1x512x128xf32> to vector<512x128xf32>
    %ge3A = arith.cmpf oge, %squeeze3A, %reduce_max3A_15 : vector<512x128xf32>
    %slice3A_16 = vector.extract_strided_slice %get3A_4 {offsets = [0, 0, 0], sizes = [1, 512, 128], strides = [1, 1, 1]} : vector<4x512x128xf32> to vector<1x512x128xf32>
    %squeeze3A_17 = vector.shape_cast %slice3A_16 : vector<1x512x128xf32> to vector<512x128xf32>
    %slice3A_18 = vector.extract_strided_slice %get3A_10 {offsets = [1, 0, 0], sizes = [1, 512, 128], strides = [1, 1, 1]} : vector<4x512x128xf32> to vector<1x512x128xf32>
    %squeeze3A_19 = vector.shape_cast %slice3A_18 : vector<1x512x128xf32> to vector<512x128xf32>
    %ge3A_20 = arith.cmpf oge, %squeeze3A_19, %reduce_max3A_15 : vector<512x128xf32>
    %slice3A_21 = vector.extract_strided_slice %get3A_4 {offsets = [1, 0, 0], sizes = [1, 512, 128], strides = [1, 1, 1]} : vector<4x512x128xf32> to vector<1x512x128xf32>
    %squeeze3A_22 = vector.shape_cast %slice3A_21 : vector<1x512x128xf32> to vector<512x128xf32>
    %slice3A_23 = vector.extract_strided_slice %get3A_10 {offsets = [2, 0, 0], sizes = [1, 512, 128], strides = [1, 1, 1]} : vector<4x512x128xf32> to vector<1x512x128xf32>
    %squeeze3A_24 = vector.shape_cast %slice3A_23 : vector<1x512x128xf32> to vector<512x128xf32>
    %ge3A_25 = arith.cmpf oge, %squeeze3A_24, %reduce_max3A_15 : vector<512x128xf32>
    %slice3A_26 = vector.extract_strided_slice %get3A_4 {offsets = [2, 0, 0], sizes = [1, 512, 128], strides = [1, 1, 1]} : vector<4x512x128xf32> to vector<1x512x128xf32>
    %squeeze3A_27 = vector.shape_cast %slice3A_26 : vector<1x512x128xf32> to vector<512x128xf32>
    %slice3A_28 = vector.extract_strided_slice %get3A_4 {offsets = [3, 0, 0], sizes = [1, 512, 128], strides = [1, 1, 1]} : vector<4x512x128xf32> to vector<1x512x128xf32>
    %squeeze3A_29 = vector.shape_cast %slice3A_28 : vector<1x512x128xf32> to vector<512x128xf32>
    %select_n3A = arith.select %ge3A_25, %squeeze3A_27, %squeeze3A_29 : vector<512x128xi1>, vector<512x128xf32>
    %select_n3A_30 = arith.select %ge3A_20, %squeeze3A_22, %select_n3A : vector<512x128xi1>, vector<512x128xf32>
    %select_n3A_31 = arith.select %ge3A, %squeeze3A_17, %select_n3A_30 : vector<512x128xi1>, vector<512x128xf32>
    %sub3A_32 = arith.subf %add3A, %select_n3A_31 : vector<512x128xf32>
    %swap3A = arith.constant 0 : index
    %swap3A_33 = arith.constant 0 : index
    %swap3A_34 = arith.constant 0 : index
    %swap3A_35 = vector.load %arg4[%swap3A, %swap3A_33, %swap3A_34] : memref<1x512x128xf32, #tpu.memory_space<vmem>>, vector<1x512x128xf32>
    %swap3A_36 = vector.shape_cast %swap3A_35 : vector<1x512x128xf32> to vector<512x128xf32>
    %swap3A_37 = vector.shape_cast %sub3A_32 : vector<512x128xf32> to vector<1x512x128xf32>
    tpu.vector_store %arg4[%swap3A, %swap3A_33, %swap3A_34], %swap3A_37 {strides = array<i32>} : memref<1x512x128xf32, #tpu.memory_space<vmem>>, vector<1x512x128xf32>,
    %broadcast_in_dim3A_38 = vector.shape_cast %reduce_sum3A_13 : vector<512x128xf32> to vector<1x512x128xf32>
    %div3A = vector.broadcast %broadcast_in_dim3A_38 : vector<1x512x128xf32> to vector<4x512x128xf32>
    %div3A_39 = arith.divf %exp3A, %div3A : vector<4x512x128xf32>
    %slice3A_40 = vector.extract_strided_slice %div3A_39 {offsets = [0, 0, 0], sizes = [1, 512, 128], strides = [1, 1, 1]} : vector<4x512x128xf32> to vector<1x512x128xf32>
    %squeeze3A_41 = vector.shape_cast %slice3A_40 : vector<1x512x128xf32> to vector<512x128xf32>
    %slice3A_42 = vector.extract_strided_slice %get3A_10 {offsets = [0, 0, 0], sizes = [1, 512, 128], strides = [1, 1, 1]} : vector<4x512x128xf32> to vector<1x512x128xf32>
    %squeeze3A_43 = vector.shape_cast %slice3A_42 : vector<1x512x128xf32> to vector<512x128xf32>
    %mul3A = arith.mulf %squeeze3A_41, %squeeze3A_43 : vector<512x128xf32>
    %reduce_sum3A_44 = vector.shape_cast %mul3A : vector<512x128xf32> to vector<1x512x128xf32>
    %reduce_sum3A_45 = arith.constant dense<0.000000e+00> : vector<1xf32>
    %reduce_sum3A_46 = vector.multi_reduction <add>, %reduce_sum3A_44, %reduce_sum3A_45 [1, 2] : vector<1x512x128xf32> to vector<1xf32>
    %reduce_sum3A_47 = vector.shape_cast %reduce_sum3A_46 : vector<1xf32> to vector<1x1x1xf32>
    %reduce_sum3A_48 = vector.extract %reduce_sum3A_47[0, 0, 0] : f32 from vector<1x1x1xf32>
    %slice3A_49 = vector.extract_strided_slice %div3A_39 {offsets = [1, 0, 0], sizes = [1, 512, 128], strides = [1, 1, 1]} : vector<4x512x128xf32> to vector<1x512x128xf32>
    %squeeze3A_50 = vector.shape_cast %slice3A_49 : vector<1x512x128xf32> to vector<512x128xf32>
    %slice3A_51 = vector.extract_strided_slice %get3A_10 {offsets = [1, 0, 0], sizes = [1, 512, 128], strides = [1, 1, 1]} : vector<4x512x128xf32> to vector<1x512x128xf32>
    %squeeze3A_52 = vector.shape_cast %slice3A_51 : vector<1x512x128xf32> to vector<512x128xf32>
    %mul3A_53 = arith.mulf %squeeze3A_50, %squeeze3A_52 : vector<512x128xf32>
    %reduce_sum3A_54 = vector.shape_cast %mul3A_53 : vector<512x128xf32> to vector<1x512x128xf32>
    %reduce_sum3A_55 = arith.constant dense<0.000000e+00> : vector<1xf32>
    %reduce_sum3A_56 = vector.multi_reduction <add>, %reduce_sum3A_54, %reduce_sum3A_55 [1, 2] : vector<1x512x128xf32> to vector<1xf32>
    %reduce_sum3A_57 = vector.shape_cast %reduce_sum3A_56 : vector<1xf32> to vector<1x1x1xf32>
    %reduce_sum3A_58 = vector.extract %reduce_sum3A_57[0, 0, 0] : f32 from vector<1x1x1xf32>
    %slice3A_59 = vector.extract_strided_slice %div3A_39 {offsets = [2, 0, 0], sizes = [1, 512, 128], strides = [1, 1, 1]} : vector<4x512x128xf32> to vector<1x512x128xf32>
    %squeeze3A_60 = vector.shape_cast %slice3A_59 : vector<1x512x128xf32> to vector<512x128xf32>
    %slice3A_61 = vector.extract_strided_slice %get3A_10 {offsets = [2, 0, 0], sizes = [1, 512, 128], strides = [1, 1, 1]} : vector<4x512x128xf32> to vector<1x512x128xf32>
    %squeeze3A_62 = vector.shape_cast %slice3A_61 : vector<1x512x128xf32> to vector<512x128xf32>
    %mul3A_63 = arith.mulf %squeeze3A_60, %squeeze3A_62 : vector<512x128xf32>
    %reduce_sum3A_64 = vector.shape_cast %mul3A_63 : vector<512x128xf32> to vector<1x512x128xf32>
    %reduce_sum3A_65 = arith.constant dense<0.000000e+00> : vector<1xf32>
    %reduce_sum3A_66 = vector.multi_reduction <add>, %reduce_sum3A_64, %reduce_sum3A_65 [1, 2] : vector<1x512x128xf32> to vector<1xf32>
    %reduce_sum3A_67 = vector.shape_cast %reduce_sum3A_66 : vector<1xf32> to vector<1x1x1xf32>
    %reduce_sum3A_68 = vector.extract %reduce_sum3A_67[0, 0, 0] : f32 from vector<1x1x1xf32>
    %slice3A_69 = vector.extract_strided_slice %div3A_39 {offsets = [3, 0, 0], sizes = [1, 512, 128], strides = [1, 1, 1]} : vector<4x512x128xf32> to vector<1x512x128xf32>
    %squeeze3A_70 = vector.shape_cast %slice3A_69 : vector<1x512x128xf32> to vector<512x128xf32>
    %slice3A_71 = vector.extract_strided_slice %get3A_10 {offsets = [3, 0, 0], sizes = [1, 512, 128], strides = [1, 1, 1]} : vector<4x512x128xf32> to vector<1x512x128xf32>
    %squeeze3A_72 = vector.shape_cast %slice3A_71 : vector<1x512x128xf32> to vector<512x128xf32>
    %mul3A_73 = arith.mulf %squeeze3A_70, %squeeze3A_72 : vector<512x128xf32>
    %reduce_sum3A_74 = vector.shape_cast %mul3A_73 : vector<512x128xf32> to vector<1x512x128xf32>
    %reduce_sum3A_75 = arith.constant dense<0.000000e+00> : vector<1xf32>
    %reduce_sum3A_76 = vector.multi_reduction <add>, %reduce_sum3A_74, %reduce_sum3A_75 [1, 2] : vector<1x512x128xf32> to vector<1xf32>
    %reduce_sum3A_77 = vector.shape_cast %reduce_sum3A_76 : vector<1xf32> to vector<1x1x1xf32>
    %reduce_sum3A_78 = vector.extract %reduce_sum3A_77[0, 0, 0] : f32 from vector<1x1x1xf32>
    %slice3A_79 = vector.extract_strided_slice %div3A_39 {offsets = [0, 0, 0], sizes = [1, 512, 128], strides = [1, 1, 1]} : vector<4x512x128xf32> to vector<1x512x128xf32>
    %squeeze3A_80 = vector.shape_cast %slice3A_79 : vector<1x512x128xf32> to vector<512x128xf32>
    %reduce_sum3A_81 = vector.shape_cast %squeeze3A_80 : vector<512x128xf32> to vector<1x512x128xf32>
    %reduce_sum3A_82 = arith.constant dense<0.000000e+00> : vector<1xf32>
    %reduce_sum3A_83 = vector.multi_reduction <add>, %reduce_sum3A_81, %reduce_sum3A_82 [1, 2] : vector<1x512x128xf32> to vector<1xf32>
    %reduce_sum3A_84 = vector.shape_cast %reduce_sum3A_83 : vector<1xf32> to vector<1x1x1xf32>
    %reduce_sum3A_85 = vector.extract %reduce_sum3A_84[0, 0, 0] : f32 from vector<1x1x1xf32>
    %slice3A_86 = vector.extract_strided_slice %get3A_10 {offsets = [0, 0, 0], sizes = [1, 512, 128], strides = [1, 1, 1]} : vector<4x512x128xf32> to vector<1x512x128xf32>
    %squeeze3A_87 = vector.shape_cast %slice3A_86 : vector<1x512x128xf32> to vector<512x128xf32>
    %reduce_sum3A_88 = vector.shape_cast %squeeze3A_87 : vector<512x128xf32> to vector<1x512x128xf32>
    %reduce_sum3A_89 = arith.constant dense<0.000000e+00> : vector<1xf32>
    %reduce_sum3A_90 = vector.multi_reduction <add>, %reduce_sum3A_88, %reduce_sum3A_89 [1, 2] : vector<1x512x128xf32> to vector<1xf32>
    %reduce_sum3A_91 = vector.shape_cast %reduce_sum3A_90 : vector<1xf32> to vector<1x1x1xf32>
    %reduce_sum3A_92 = vector.extract %reduce_sum3A_91[0, 0, 0] : f32 from vector<1x1x1xf32>
    %add3A_93 = arith.addf %reduce_sum3A_85, %reduce_sum3A_92 : f32
    %slice3A_94 = vector.extract_strided_slice %div3A_39 {offsets = [1, 0, 0], sizes = [1, 512, 128], strides = [1, 1, 1]} : vector<4x512x128xf32> to vector<1x512x128xf32>
    %squeeze3A_95 = vector.shape_cast %slice3A_94 : vector<1x512x128xf32> to vector<512x128xf32>
    %reduce_sum3A_96 = vector.shape_cast %squeeze3A_95 : vector<512x128xf32> to vector<1x512x128xf32>
    %reduce_sum3A_97 = arith.constant dense<0.000000e+00> : vector<1xf32>
    %reduce_sum3A_98 = vector.multi_reduction <add>, %reduce_sum3A_96, %reduce_sum3A_97 [1, 2] : vector<1x512x128xf32> to vector<1xf32>
    %reduce_sum3A_99 = vector.shape_cast %reduce_sum3A_98 : vector<1xf32> to vector<1x1x1xf32>
    %reduce_sum3A_100 = vector.extract %reduce_sum3A_99[0, 0, 0] : f32 from vector<1x1x1xf32>
    %slice3A_101 = vector.extract_strided_slice %get3A_10 {offsets = [1, 0, 0], sizes = [1, 512, 128], strides = [1, 1, 1]} : vector<4x512x128xf32> to vector<1x512x128xf32>
    %squeeze3A_102 = vector.shape_cast %slice3A_101 : vector<1x512x128xf32> to vector<512x128xf32>
    %reduce_sum3A_103 = vector.shape_cast %squeeze3A_102 : vector<512x128xf32> to vector<1x512x128xf32>
    %reduce_sum3A_104 = arith.constant dense<0.000000e+00> : vector<1xf32>
    %reduce_sum3A_105 = vector.multi_reduction <add>, %reduce_sum3A_103, %reduce_sum3A_104 [1, 2] : vector<1x512x128xf32> to vector<1xf32>
    %reduce_sum3A_106 = vector.shape_cast %reduce_sum3A_105 : vector<1xf32> to vector<1x1x1xf32>
    %reduce_sum3A_107 = vector.extract %reduce_sum3A_106[0, 0, 0] : f32 from vector<1x1x1xf32>
    %add3A_108 = arith.addf %reduce_sum3A_100, %reduce_sum3A_107 : f32
    %slice3A_109 = vector.extract_strided_slice %div3A_39 {offsets = [2, 0, 0], sizes = [1, 512, 128], strides = [1, 1, 1]} : vector<4x512x128xf32> to vector<1x512x128xf32>
    %squeeze3A_110 = vector.shape_cast %slice3A_109 : vector<1x512x128xf32> to vector<512x128xf32>
    %reduce_sum3A_111 = vector.shape_cast %squeeze3A_110 : vector<512x128xf32> to vector<1x512x128xf32>
    %reduce_sum3A_112 = arith.constant dense<0.000000e+00> : vector<1xf32>
    %reduce_sum3A_113 = vector.multi_reduction <add>, %reduce_sum3A_111, %reduce_sum3A_112 [1, 2] : vector<1x512x128xf32> to vector<1xf32>
    %reduce_sum3A_114 = vector.shape_cast %reduce_sum3A_113 : vector<1xf32> to vector<1x1x1xf32>
    %reduce_sum3A_115 = vector.extract %reduce_sum3A_114[0, 0, 0] : f32 from vector<1x1x1xf32>
    %slice3A_116 = vector.extract_strided_slice %get3A_10 {offsets = [2, 0, 0], sizes = [1, 512, 128], strides = [1, 1, 1]} : vector<4x512x128xf32> to vector<1x512x128xf32>
    %squeeze3A_117 = vector.shape_cast %slice3A_116 : vector<1x512x128xf32> to vector<512x128xf32>
    %reduce_sum3A_118 = vector.shape_cast %squeeze3A_117 : vector<512x128xf32> to vector<1x512x128xf32>
    %reduce_sum3A_119 = arith.constant dense<0.000000e+00> : vector<1xf32>
    %reduce_sum3A_120 = vector.multi_reduction <add>, %reduce_sum3A_118, %reduce_sum3A_119 [1, 2] : vector<1x512x128xf32> to vector<1xf32>
    %reduce_sum3A_121 = vector.shape_cast %reduce_sum3A_120 : vector<1xf32> to vector<1x1x1xf32>
    %reduce_sum3A_122 = vector.extract %reduce_sum3A_121[0, 0, 0] : f32 from vector<1x1x1xf32>
    %add3A_123 = arith.addf %reduce_sum3A_115, %reduce_sum3A_122 : f32
    %slice3A_124 = vector.extract_strided_slice %div3A_39 {offsets = [3, 0, 0], sizes = [1, 512, 128], strides = [1, 1, 1]} : vector<4x512x128xf32> to vector<1x512x128xf32>
    %squeeze3A_125 = vector.shape_cast %slice3A_124 : vector<1x512x128xf32> to vector<512x128xf32>
    %reduce_sum3A_126 = vector.shape_cast %squeeze3A_125 : vector<512x128xf32> to vector<1x512x128xf32>
    %reduce_sum3A_127 = arith.constant dense<0.000000e+00> : vector<1xf32>
    %reduce_sum3A_128 = vector.multi_reduction <add>, %reduce_sum3A_126, %reduce_sum3A_127 [1, 2] : vector<1x512x128xf32> to vector<1xf32>
    %reduce_sum3A_129 = vector.shape_cast %reduce_sum3A_128 : vector<1xf32> to vector<1x1x1xf32>
    %reduce_sum3A_130 = vector.extract %reduce_sum3A_129[0, 0, 0] : f32 from vector<1x1x1xf32>
    %slice3A_131 = vector.extract_strided_slice %get3A_10 {offsets = [3, 0, 0], sizes = [1, 512, 128], strides = [1, 1, 1]} : vector<4x512x128xf32> to vector<1x512x128xf32>
    %squeeze3A_132 = vector.shape_cast %slice3A_131 : vector<1x512x128xf32> to vector<512x128xf32>
    %reduce_sum3A_133 = vector.shape_cast %squeeze3A_132 : vector<512x128xf32> to vector<1x512x128xf32>
    %reduce_sum3A_134 = arith.constant dense<0.000000e+00> : vector<1xf32>
    %reduce_sum3A_135 = vector.multi_reduction <add>, %reduce_sum3A_133, %reduce_sum3A_134 [1, 2] : vector<1x512x128xf32> to vector<1xf32>
    %reduce_sum3A_136 = vector.shape_cast %reduce_sum3A_135 : vector<1xf32> to vector<1x1x1xf32>
    %reduce_sum3A_137 = vector.extract %reduce_sum3A_136[0, 0, 0] : f32 from vector<1x1x1xf32>
    %add3A_138 = arith.addf %reduce_sum3A_130, %reduce_sum3A_137 : f32
    %reduce_max3A_139 = vector.shape_cast %sub3A_32 : vector<512x128xf32> to vector<1x512x128xf32>
    %reduce_max3A_140 = arith.constant dense<0xFF800000> : vector<1xf32>
    %reduce_max3A_141 = vector.multi_reduction <maximumf>, %reduce_max3A_139, %reduce_max3A_140 [1, 2] : vector<1x512x128xf32> to vector<1xf32>
    %reduce_max3A_142 = vector.shape_cast %reduce_max3A_141 : vector<1xf32> to vector<1x1x1xf32>
    %reduce_max3A_143 = vector.extract %reduce_max3A_142[0, 0, 0] : f32 from vector<1x1x1xf32>
    %reduce_min3A = vector.shape_cast %sub3A_32 : vector<512x128xf32> to vector<1x512x128xf32>
    %reduce_min3A_144 = arith.constant dense<0x7F800000> : vector<1xf32>
    %reduce_min3A_145 = vector.multi_reduction <minimumf>, %reduce_min3A, %reduce_min3A_144 [1, 2] : vector<1x512x128xf32> to vector<1xf32>
    %reduce_min3A_146 = vector.shape_cast %reduce_min3A_145 : vector<1xf32> to vector<1x1x1xf32>
    %reduce_min3A_147 = vector.extract %reduce_min3A_146[0, 0, 0] : f32 from vector<1x1x1xf32>
    %broadcast_in_dim3A_148 = arith.constant 0.000000e+00 : f32
    %broadcast_in_dim3A_149 = vector.broadcast %broadcast_in_dim3A_148 : f32 to vector<16x128xf32>
    %iota3A = tpu.iota {dimensions = array<i32: 0>} : vector<16x128xi32>
    %eq3A = arith.constant 0 : i32
    %eq3A_150 = vector.broadcast %eq3A : i32 to vector<16x128xi32>
    %eq3A_151 = arith.cmpi eq, %iota3A, %eq3A_150 : vector<16x128xi32>
    %broadcast_in_dim3A_152 = vector.broadcast %reduce_sum3A_48 : f32 to vector<16x128xf32>
    %select_n3A_153 = arith.select %eq3A_151, %broadcast_in_dim3A_152, %broadcast_in_dim3A_149 : vector<16x128xi1>, vector<16x128xf32>
    %eq3A_154 = arith.constant 1 : i32
    %eq3A_155 = vector.broadcast %eq3A_154 : i32 to vector<16x128xi32>
    %eq3A_156 = arith.cmpi eq, %iota3A, %eq3A_155 : vector<16x128xi32>
    %broadcast_in_dim3A_157 = vector.broadcast %reduce_sum3A_58 : f32 to vector<16x128xf32>
    %select_n3A_158 = arith.select %eq3A_156, %broadcast_in_dim3A_157, %select_n3A_153 : vector<16x128xi1>, vector<16x128xf32>
    %eq3A_159 = arith.constant 2 : i32
    %eq3A_160 = vector.broadcast %eq3A_159 : i32 to vector<16x128xi32>
    %eq3A_161 = arith.cmpi eq, %iota3A, %eq3A_160 : vector<16x128xi32>
    %broadcast_in_dim3A_162 = vector.broadcast %reduce_sum3A_68 : f32 to vector<16x128xf32>
    %select_n3A_163 = arith.select %eq3A_161, %broadcast_in_dim3A_162, %select_n3A_158 : vector<16x128xi1>, vector<16x128xf32>
    %eq3A_164 = arith.constant 3 : i32
    %eq3A_165 = vector.broadcast %eq3A_164 : i32 to vector<16x128xi32>
    %eq3A_166 = arith.cmpi eq, %iota3A, %eq3A_165 : vector<16x128xi32>
    %broadcast_in_dim3A_167 = vector.broadcast %reduce_sum3A_78 : f32 to vector<16x128xf32>
    %select_n3A_168 = arith.select %eq3A_166, %broadcast_in_dim3A_167, %select_n3A_163 : vector<16x128xi1>, vector<16x128xf32>
    %eq3A_169 = arith.constant 4 : i32
    %eq3A_170 = vector.broadcast %eq3A_169 : i32 to vector<16x128xi32>
    %eq3A_171 = arith.cmpi eq, %iota3A, %eq3A_170 : vector<16x128xi32>
    %broadcast_in_dim3A_172 = vector.broadcast %add3A_93 : f32 to vector<16x128xf32>
    %select_n3A_173 = arith.select %eq3A_171, %broadcast_in_dim3A_172, %select_n3A_168 : vector<16x128xi1>, vector<16x128xf32>
    %eq3A_174 = arith.constant 5 : i32
    %eq3A_175 = vector.broadcast %eq3A_174 : i32 to vector<16x128xi32>
    %eq3A_176 = arith.cmpi eq, %iota3A, %eq3A_175 : vector<16x128xi32>
    %broadcast_in_dim3A_177 = vector.broadcast %add3A_108 : f32 to vector<16x128xf32>
    %select_n3A_178 = arith.select %eq3A_176, %broadcast_in_dim3A_177, %select_n3A_173 : vector<16x128xi1>, vector<16x128xf32>
    %eq3A_179 = arith.constant 6 : i32
    %eq3A_180 = vector.broadcast %eq3A_179 : i32 to vector<16x128xi32>
    %eq3A_181 = arith.cmpi eq, %iota3A, %eq3A_180 : vector<16x128xi32>
    %broadcast_in_dim3A_182 = vector.broadcast %add3A_123 : f32 to vector<16x128xf32>
    %select_n3A_183 = arith.select %eq3A_181, %broadcast_in_dim3A_182, %select_n3A_178 : vector<16x128xi1>, vector<16x128xf32>
    %eq3A_184 = arith.constant 7 : i32
    %eq3A_185 = vector.broadcast %eq3A_184 : i32 to vector<16x128xi32>
    %eq3A_186 = arith.cmpi eq, %iota3A, %eq3A_185 : vector<16x128xi32>
    %broadcast_in_dim3A_187 = vector.broadcast %add3A_138 : f32 to vector<16x128xf32>
    %select_n3A_188 = arith.select %eq3A_186, %broadcast_in_dim3A_187, %select_n3A_183 : vector<16x128xi1>, vector<16x128xf32>
    %eq3A_189 = arith.constant 8 : i32
    %eq3A_190 = vector.broadcast %eq3A_189 : i32 to vector<16x128xi32>
    %eq3A_191 = arith.cmpi eq, %iota3A, %eq3A_190 : vector<16x128xi32>
    %broadcast_in_dim3A_192 = vector.broadcast %reduce_max3A_143 : f32 to vector<16x128xf32>
    %select_n3A_193 = arith.select %eq3A_191, %broadcast_in_dim3A_192, %select_n3A_188 : vector<16x128xi1>, vector<16x128xf32>
    %eq3A_194 = arith.constant 9 : i32
    %eq3A_195 = vector.broadcast %eq3A_194 : i32 to vector<16x128xi32>
    %eq3A_196 = arith.cmpi eq, %iota3A, %eq3A_195 : vector<16x128xi32>
    %broadcast_in_dim3A_197 = vector.broadcast %reduce_min3A_147 : f32 to vector<16x128xf32>
    %select_n3A_198 = arith.select %eq3A_196, %broadcast_in_dim3A_197, %select_n3A_193 : vector<16x128xi1>, vector<16x128xf32>
    %swap3A_199 = arith.constant 0 : index
    %swap3A_200 = arith.constant 0 : index
    %swap3A_201 = arith.constant 0 : index
    %swap3A_202 = arith.constant 0 : index
    %swap3A_203 = vector.load %arg5[%swap3A_199, %swap3A_200, %swap3A_201, %swap3A_202] : memref<1x1x16x128xf32, #tpu.memory_space<vmem>>, vector<1x1x16x128xf32>
    %swap3A_204 = vector.shape_cast %swap3A_203 : vector<1x1x16x128xf32> to vector<16x128xf32>
    %swap3A_205 = vector.shape_cast %select_n3A_198 : vector<16x128xf32> to vector<1x1x16x128xf32>
    tpu.vector_store %arg5[%swap3A_199, %swap3A_200, %swap3A_201, %swap3A_202], %swap3A_205 {strides = array<i32>} : memref<1x1x16x128xf32, #tpu.memory_space<vmem>>, vector<1x1x16x128xf32>,
    return
  }
  func.func @transform_0(%arg0: i32, %arg1: i32) -> (i32, i32, i32, i32) {
    %c0_i32 = arith.constant 0 : i32
    %c0_i32_0 = arith.constant 0 : i32
    %c0_i32_1 = arith.constant 0 : i32
    return %arg0, %c0_i32, %arg1, %c0_i32_0 : i32, i32, i32, i32
  }
  func.func @transform_1(%arg0: i32, %arg1: i32) -> (i32, i32, i32, i32) {
    %c0_i32 = arith.constant 0 : i32
    %c0_i32_0 = arith.constant 0 : i32
    %c0_i32_1 = arith.constant 0 : i32
    return %arg0, %c0_i32, %arg1, %c0_i32_0 : i32, i32, i32, i32
  }
  func.func @transform_2(%arg0: i32, %arg1: i32) -> (i32, i32, i32) {
    %c0_i32 = arith.constant 0 : i32
    %c0_i32_0 = arith.constant 0 : i32
    return %arg0, %arg1, %c0_i32 : i32, i32, i32
  }
  func.func @transform_3(%arg0: i32, %arg1: i32) -> (i32, i32, i32, i32) {
    %c0_i32 = arith.constant 0 : i32
    %c0_i32_0 = arith.constant 0 : i32
    %c0_i32_1 = arith.constant 0 : i32
    return %arg0, %arg1, %c0_i32, %c0_i32_0 : i32, i32, i32, i32
  }
}

</mosaic_0001>

<sc_bundles>
// kernel: kernel.5.cloned.1.call-start
scs
__scs_entry_jumppad:
0x0: {  	(pc) =	sbr.rel $0x88, $3  }
0x1: {  	(tag) =	ssettag $0x0;
	lr =	simm.s32 $0x1  }
0x2: {  	[smem:$0x3F9F] =	sst lr;
	_ =	strace $0xD0000000  }
0x3: {  	_ = 	snop  }
0x4: {  	_ = 	snop  }
0x5: {  	_ = 	snop  }
0x6: {  	_ = 	snop  }
0x7: {  	_ = 	snop  }
__scs_overlays_trampoline_lowered:
0x8: {  	[smem:$0x3FAE] =	sst s0  }
0x9: {  	[smem:$0x3FAF] =	sst s1  }
0xa: {  	[smem:$0x3FB0] =	sst s2  }
0xb: {  	[smem:$0x3FB1] =	sst s3  }
0xc: {  	[smem:$0x3FB2] =	sst s4  }
0xd: {  	[smem:$0x3FB3] =	sst s5  }
0xe: {  	[smem:$0x3FB4] =	sst s6  }
0xf: {  	[smem:$0x3FB5] =	sst s7  }
0x10: {  	[smem:$0x3FB6] =	sst s8  }
0x11: {  	[smem:$0x3FB7] =	sst s9;
	s0 =	simm.s32 @!p0 $0x0  }
0x12: {  	s1 =	sld [smem:$0x3F9D];
	s0 =	simm.s32 @p0 $0x1  }
0x13: {  	[smem:$0x3FB8] =	sst s0;
	s0 =	simm.s32 @!p1 $0x0  }
0x14: {  	s2 =	sld [smem:$0x3F9C];
	s0 =	simm.s32 @p1 $0x1  }
0x15: {  	[smem:$0x3FB9] =	sst s0;
	s0 =	simm.s32 @!p2 $0x0  }
0x16: {  	s3 =	sld [smem:$0x3FDB];
	s0 =	simm.s32 @p2 $0x1  }
0x17: {  	s4 =	simm.s32 $0x1BF5;
	[smem:$0x3FBB] =	sst s0  }
0x18: {  	s0 =	sld [smem:$0x3F9E];
	_ =	swait.ge [sflag:s4], $0x0  }
0x19: {  	s7 =	sld [smem:$0x3F9F]  }
0x1a: {  	s8 =	sadd.s32 $0xFFFFE003, lr  }
0x1b: {  	s9 =	sadd.s32 $0xFFFFFEF7, lr;
	s5 =	simm.s32 $0xFFFFFFFF;
	p2 =	slt.u32 s8, $0xFFFFF086  }
0x1c: {  	p1 =	slt.u32 s9, $0xF7A;
	s5 =	simm.s32 @!p2 $0x0  }
0x1d: {  	s5 =	simm.s32 @p1 $0x1;
	p0 =	seq.s32 s7, s2  }
0x1e: {  	s7 =	smul.u32 @!p0 $0xF7A, s2;
	p2 =	seq.s32 @!p0 s5, $0x0  }
0x1f: {  	s9 =	smul.u32 $0xF7A, s1;
	s8 =	simm.s32 @!p0 $0x1BF5;
	p2 =	por !p2, p0  }
0x20: {  	[sflag:s8] =	ssyncset.s32 @!p0 $0xFFFFF086;
	s6 =	sadd.s32 @!p0 s3, s7;
	s7 =	simm.s32 @!p0 $0x108  }
0x21: {  	s3 =	sadd.s32 s3, s9;
	s6 =	sadd.s32 @!p0 $0x88, s6;
	s7 =	simm.s32 @p2 $0x1082  }
0x22: {  	[simem:s7], [sflag:s8] =	dma.local @!p0 [hbm:s6], $0xF7A  }
0x23: {  	s9 =	sor.u32 $0xD0000000, s2;
	s6 =	simm.s32 $0x108;
	_ =	swait.ge @!p0 [sflag:s8], $0x0  }
0x24: {  	s3 =	sadd.s32 $0x88, s3;
	s6 =	simm.s32 @!p1 $0x1082;
	[sflag:s4] =	ssyncset.s32 $0xFFFFF086  }
0x25: {  	[simem:s6], [sflag:s4] =	dma.local [hbm:s3], $0xF7A  }
0x26: {  	[smem:$0x3F9F] =	sst s1;
	(tag) =	ssettag s2;
	_ =	strace s9  }
0x27: {  	s1 =	sld [smem:$0x3FAF]  }
0x28: {  	s2 =	sld [smem:$0x3FB0]  }
0x29: {  	s4 =	sld [smem:$0x3FB2]  }
0x2a: {  	p0 =	seq.s32 s5, $0x0;
	s5 =	sld [smem:$0x3FB3]  }
0x2b: {  	s6 =	sld [smem:$0x3FB4]  }
0x2c: {  	s7 =	sld [smem:$0x3FB5]  }
0x2d: {  	s3 =	simm.s32 $0x108;
	s8 =	sld [smem:$0x3FB6]  }
0x2e: {  	s3 =	simm.s32 @!p0 $0x1082;
	s9 =	sld [smem:$0x3FB7]  }
0x2f: {  	lr =	sadd.s32 s0, s3;
	s0 =	sld [smem:$0x3FAE]  }
0x30: {  	s3 =	sld [smem:$0x3FB1]  }
0x31: {  	[smem:$0x3FBA] =	sst s10  }
0x32: {  	s10 =	sld [smem:$0x3FB8];
	_ =	sdelay $0x3  }
0x33: {  	p0 =	seq.s32 s10, $0x1;
	s10 =	sld [smem:$0x3FBA];
	_ =	sdelay $0x3  }
0x34: {  	[smem:$0x3FBA] =	sst s10  }
0x35: {  	s10 =	sld [smem:$0x3FB9];
	_ =	sdelay $0x3  }
0x36: {  	p1 =	seq.s32 s10, $0x1;
	s10 =	sld [smem:$0x3FBA];
	_ =	sdelay $0x3  }
0x37: {  	[smem:$0x3FBA] =	sst s10  }
0x38: {  	s10 =	sld [smem:$0x3FBB]  }
0x39: {  	_ = 	snop;
	(pc) =	sbr.ind lr, $3  }
0x3a: {  	_ = 	snop  }
0x3b: {  	_ = 	snop  }
0x3c: {  	p2 =	seq.s32 s10, $0x1;
	s10 =	sld [smem:$0x3FBA]  }
0x3d: {  	_ =	shalt  }
0x3e: {  	_ =	shalt  }
0x3f: {  	_ =	shalt  }
0x40: {  	_ =	shalt  }
0x41: {  	_ =	shalt  }
0x42: {  	_ =	shalt  }
0x43: {  	_ =	shalt  }
0x44: {  	_ =	shalt  }
0x45: {  	_ =	shalt  }
0x46: {  	_ =	shalt  }
0x47: {  	_ =	shalt  }
0x48: {  	_ =	shalt  }
0x49: {  	_ =	shalt  }
0x4a: {  	_ =	shalt  }
0x4b: {  	_ =	shalt  }
0x4c: {  	_ =	shalt  }
0x4d: {  	_ =	shalt  }
0x4e: {  	_ =	shalt  }
0x4f: {  	_ =	shalt  }
0x50: {  	_ =	shalt  }
0x51: {  	_ =	shalt  }
0x52: {  	_ =	shalt  }
0x53: {  	_ =	shalt  }
0x54: {  	_ =	shalt  }
0x55: {  	_ =	shalt  }
0x56: {  	_ =	shalt  }
0x57: {  	_ =	shalt  }
0x58: {  	_ =	shalt  }
0x59: {  	_ =	shalt  }
0x5a: {  	_ =	shalt  }
0x5b: {  	_ =	shalt  }
0x5c: {  	_ =	shalt  }
0x5d: {  	_ =	shalt  }
0x5e: {  	_ =	shalt  }
0x5f: {  	_ =	shalt  }
0x60: {  	_ =	shalt  }
0x61: {  	_ =	shalt  }
0x62: {  	_ =	shalt  }
0x63: {  	_ =	shalt  }
0x64: {  	_ =	shalt  }
0x65: {  	_ =	shalt  }
0x66: {  	_ =	shalt  }
0x67: {  	_ =	shalt  }
0x68: {  	_ =	shalt  }
0x69: {  	_ =	shalt  }
0x6a: {  	_ =	shalt  }
0x6b: {  	_ =	shalt  }
0x6c: {  	_ =	shalt  }
0x6d: {  	_ =	shalt  }
0x6e: {  	_ =	shalt  }
0x6f: {  	_ =	shalt  }
0x70: {  	_ =	shalt  }
0x71: {  	_ =	shalt  }
0x72: {  	_ =	shalt  }
0x73: {  	_ =	shalt  }
0x74: {  	_ =	shalt  }
0x75: {  	_ =	shalt  }
0x76: {  	_ =	shalt  }
0x77: {  	_ =	shalt  }
0x78: {  	_ =	shalt  }
0x79: {  	_ =	shalt  }
0x7a: {  	_ =	shalt  }
0x7b: {  	_ =	shalt  }
0x7c: {  	_ =	shalt  }
0x7d: {  	_ =	shalt  }
0x7e: {  	_ =	shalt  }
0x7f: {  	_ =	shalt  }
0x80: {  	_ =	shalt  }
0x81: {  	_ =	shalt  }
0x82: {  	_ =	shalt  }
0x83: {  	_ =	shalt  }
0x84: {  	_ =	shalt  }
0x85: {  	_ =	shalt  }
0x86: {  	_ =	shalt  }
0x87: {  	_ =	shalt  }
.Lfunc_end0:
.L_simem_size_0:
called_computation_lowered:
.L_overlay_start_0:
0x88: {  	s2 =	sld [smem:$0x3FD9]  }
0x89: {  	s3 =	sld [smem:$0x3FFE];
	_ =	sdelay $0x1  }
0x8a: {  	s1 =	srdreg.scid  }
0x8b: {  	s0 =	sand.u32 $0x1, s1  }
0x8c: {  	s16 =	sshll.u32 s0, $0xA;
	s2 =	sadd.s32 s3, s2  }
0x8d: {  	s2 =	sadd.s32 s2, s16  }
0x8e: {  	[smem:$0x3FC6] =	sst s2  }
0x8f: {  	_ = 	snop  }
0x90: {  	(tm) =	ssettm $0x1  }
0x91: {  	s17 =	sld [smem:$0x3FFB];
	_ =	sdelay $0x3  }
0x92: {  	_ =	strace s17  }
0x93: {  	s2 =	sld [smem:$0x3FFC];
	_ =	sdelay $0x3  }
0x94: {  	_ =	strace s2  }
0x95: {  	s2 =	sld [smem:$0x3FFD];
	_ =	sdelay $0x3  }
0x96: {  	_ =	strace s2  }
0x97: {  	_ =	strace $0x8FFFFFFF  }
0x98: {  	s18 =	sld [smem:$0x3FDB];
	_ =	sdelay $0x1  }
0x99: {  	s19 =	simm.s32 $_scs_section_size  }
0x9a: {  	s4 =	simm.s32 $_size__tile_overlayer_lowered;
	s5 =	simm.s32 $_tile_overlayer_lowered  }
0x9b: {  	s22 =	simm.s32 $0x1BFF;
	s21 =	sshll.u32 s5, $0x1;
	s2 =	sadd.s32 s19, s18  }
0x9c: {  	s6 =	simm.s32 $0x0;
	s20 =	sshll.u32 s4, $0x1;
	s4 =	sadd.s32 s21, s2  }
0x9d: {  	[timem:s6], [sflag:s22] =	dma.local [hbm:s4], s20  }
0x9e: {  	_ =	swait.ge [sflag:s22], s20  }
0x9f: {  	s3 =	ssub.s32 $0x0, s20;
	[sflag:s22] =	ssyncset.done $0x0  }
0xa0: {  	[sflag:s22] =	ssyncadd.s32 s3;
	_ =	sdelay $0x1  }
0xa1: {  	s23 =	simm.s32 $0x1B8B  }
0xa2: {  	_ =	swait.ge [sflag:s23], $0x1  }
0xa3: {  	[sflag:s23] =	ssyncset.done $0x0  }
0xa4: {  	s25 =	simm.s32 $0x1B8E;
	s24 =	sld [smem:$0x3FFE];
	[sflag:s23] =	ssyncadd.s32 $0xFFFFFFFF  }
0xa5: {  	s26 =	simm.s32 $execute0_lowered;
	[smem:$0x3FD2] =	sst s25  }
0xa6: {  	s4 =	sshll.u32 s26, $0x1;
	_ =	strace $0x80000046;
	[dreg:$0x1] =	wrdreg $0xFFFFFFFF  }
0xa7: {  	s28 =	simm.s32 $_size_execute0_lowered;
	s2 =	sadd.s32 s2, s4;
	[dreg:$0x0] =	wrdreg $0x0  }
0xa8: {  	s4 =	sshll.u32 s28, $0x1;
	[dreg:$0x2] =	wrdreg s2  }
0xa9: {  	[dreg:$0x3] =	wrdreg s4  }
0xaa: {  	[dreg:$0x4] =	wrdreg $0xC0  }
0xab: {  	_ =	task [dreg:s6], $0x5FFFF  }
0xac: {  	[dreg:$0x1] =	wrdreg $0xFFFFFFFF  }
0xad: {  	[dreg:$0x0] =	wrdreg $0x60  }
0xae: {  	[dreg:$0x2] =	wrdreg s24  }
0xaf: {  	[dreg:$0x3] =	wrdreg $0x9  }
0xb0: {  	_ =	task.clear_ibuf [dreg:s6], $0x4FFFF;
	_ =	strace $0x90000046  }
0xb1: {  	s29 =	simm.s32 $0x9;
	_ =	strace $0x80000048  }
0xb2: {  	_ =	swait.ge [sflag:s29], $0x1  }
0xb3: {  	[sflag:s29] =	ssyncadd.s32 $0xFFFFFFFF  }
0xb4: {  	_ =	strace $0x90000048  }
0xb5: {  	_ =	sfence  }
0xb6: {  	s30 =	sld [smem:$0x0];
	_ =	sdelay $0x2  }
0xb7: {  	s31 =	sshll.u32 s1, $0xD;
	s1 =	sshrl.u32 s1, $0x2  }
0xb8: {  	s3 =	sand.u32 $0x4000, s31;
	s1 =	sadd.s32 s1, s30  }
0xb9: {  	s0 =	sor.u32 s3, s0;
	s1 =	sshll.u32 s1, $0x11  }
0xba: {  	s0 =	sor.u32 s1, s0  }
0xbb: {  	s0 =	sadd.s32 $0x8F2B, s0  }
0xbc: {  	[sflag:s0] =	ssyncadd.remote.s32 $0x1  }
0xbd: {  	_ =	sfence.sel $0xFFFF  }
0xbe: {  	[dreg:$0x0] =	wrdreg $0xFFFFFFFF;
	(pc) =	sbr.abs _section_cstart, $3  }
0xbf: {  	[dreg:$0x1] =	wrdreg $0xFFFFFFFF  }
0xc0: {  	_ =	task.clear_ibuf [dreg:s6], $0x2FFFF;
	_ =	strace $0x9FFFFFFF  }
0xc1: {  	(tm) =	ssettm $0x7FFFFFFF  }
tec
execute0_lowered:
.L_overlay_start_1:
0x0: {  	(tag) =	ssettag $0x1  }
0x1: {  	s3 =	rddreg [dreg:$0x0]  }
0x2: {  	s0 =	rddreg [dreg:$0x1];
	s2 =	simm.s32 $0x0;
	s4 =	srdreg.scid  }
0x3: {  	s1 =	stileid.u32;
	s11 =	simm.s32 $0x6000;
	s12 =	simm.s32 $0x80  }
0x4: {  	s13 =	simm.s32 $0x400;
	s14 =	simm.s32 $0x0;
	[smem:$0x7FF] =	sst s2  }
0x5: {  	s4 =	sand.u32 $0x1, s4;
	s5 =	sshll.u32 s1, $0xE;
	s8 =	sshll.u32 s1, $0xA  }
0x6: {  	s10 =	sshll.u32 s1, $0x4;
	_ =	strace $0x80000047;
	s6 =	sshll.u32 s4, $0xD  }
0x7: {  	s5 =	sadd.s32 s5, s3;
	s7 =	sshll.u32 s4, $0xE;
	s30 =	ssub.s32 $0x2, s4  }
0x8: {  	s8 =	sand.u32 $0x2000, s8;
	s4 =	sshll.u32 s4, $0x12;
	s10 =	sand.u32 $0x70, s10  }
0x9: {  	s6 =	sadd.s32 s6, s3;
	s3 =	sadd.s32 s7, s3;
	s9 =	sshrl.u32 s30, $0x1  }
0xa: {  	s4 =	sadd.s32 s4, s5;
	s3 =	sadd.s32 s8, s3;
	s7 =	ssub.s32 s30, s9  }
0xb: {  	s4 =	sadd.s32 $0xC00, s4;
	s8 =	simm.s32 $0x800;
	s9 =	simm.s32 $0x1  }
0xc: {  	s31 =	sadd.s32 s10, s3;
	s3 =	sadd.s32 $0x80C80, s6;
	s6 =	smax.u32 s7, $0x1  }
0xd: {  	v0 =	vimm.f32 $0.0e+00;
	v1 =	vimm.f32 $1.000000000e+00;
	s7 =	simm.s32 $0x100;
	s10 =	simm.s32 $0x2000;
	s5 =	sadd.s32 $0x84C00, s31  }
.LBB2_1:
0xe: {  	[tilespmem:s2], [sflag:$0x1] =	stream.strided.gather [hbm4b:s3+s7], $0x2000, s8, s7, $0x38;
	[tilespmem:$0x8000] =	vst v63  }
0xf: {  	_ =	swait.ge [sflag:s9], $0x2000  }
0x10: {  	[sflag:s9] =	ssyncset.done $0x0  }
0x11: {  	[sflag:s9] =	ssyncadd.s32 $0xFFFFE000  }
0x12: {  	v2 =	vld [tilespmem:$0x0]  }
0x13: {  	v3 =	vld [tilespmem:$0x80]  }
0x14: {  	v4 =	vld [tilespmem:$0x100]  }
0x15: {  	v5 =	vld [tilespmem:$0x180]  }
0x16: {  	v6 =	vld [tilespmem:$0x200]  }
0x17: {  	v7 =	vld [tilespmem:$0x280]  }
0x18: {  	v8 =	vld [tilespmem:$0x300]  }
0x19: {  	v9 =	vld [tilespmem:$0x380]  }
0x1a: {  	v10 =	vld [tilespmem:$0x400]  }
0x1b: {  	v11 =	vld [tilespmem:$0x480]  }
0x1c: {  	v12 =	vld [tilespmem:$0x500]  }
0x1d: {  	v13 =	vld [tilespmem:$0x580]  }
0x1e: {  	v14 =	vld [tilespmem:$0x600]  }
0x1f: {  	v15 =	vld [tilespmem:$0x680]  }
0x20: {  	v16 =	vld [tilespmem:$0x700]  }
0x21: {  	v17 =	vld [tilespmem:$0x780]  }
0x22: {  	v18 =	vld [tilespmem:$0x800]  }
0x23: {  	v19 =	vld [tilespmem:$0x880]  }
0x24: {  	v20 =	vld [tilespmem:$0x900]  }
0x25: {  	v21 =	vld [tilespmem:$0x980]  }
0x26: {  	v22 =	vld [tilespmem:$0xA00]  }
0x27: {  	v23 =	vld [tilespmem:$0xA80]  }
0x28: {  	v24 =	vld [tilespmem:$0xB00]  }
0x29: {  	v25 =	vld [tilespmem:$0xB80]  }
0x2a: {  	v26 =	vld [tilespmem:$0xC00]  }
0x2b: {  	v27 =	vld [tilespmem:$0xC80]  }
0x2c: {  	v28 =	vld [tilespmem:$0xD00]  }
0x2d: {  	v29 =	vld [tilespmem:$0xD80]  }
0x2e: {  	v30 =	vld [tilespmem:$0xE00]  }
0x2f: {  	v31 =	vld [tilespmem:$0xE80]  }
0x30: {  	v32 =	vld [tilespmem:$0xF00]  }
0x31: {  	v33 =	vld [tilespmem:$0xF80]  }
0x32: {  	v34 =	vld [tilespmem:$0x1000]  }
0x33: {  	v35 =	vld [tilespmem:$0x1080]  }
0x34: {  	v36 =	vld [tilespmem:$0x1100]  }
0x35: {  	v37 =	vld [tilespmem:$0x1180]  }
0x36: {  	v38 =	vld [tilespmem:$0x1200]  }
0x37: {  	v39 =	vld [tilespmem:$0x1280]  }
0x38: {  	v40 =	vld [tilespmem:$0x1300]  }
0x39: {  	v41 =	vld [tilespmem:$0x1380]  }
0x3a: {  	v42 =	vld [tilespmem:$0x1400]  }
0x3b: {  	v43 =	vld [tilespmem:$0x1480]  }
0x3c: {  	v44 =	vld [tilespmem:$0x1500]  }
0x3d: {  	v45 =	vld [tilespmem:$0x1580]  }
0x3e: {  	v46 =	vld [tilespmem:$0x1600]  }
0x3f: {  	v47 =	vld [tilespmem:$0x1680]  }
0x40: {  	v48 =	vld [tilespmem:$0x1700]  }
0x41: {  	v49 =	vld [tilespmem:$0x1780]  }
0x42: {  	v50 =	vld [tilespmem:$0x1800]  }
0x43: {  	v51 =	vld [tilespmem:$0x1880]  }
0x44: {  	v52 =	vld [tilespmem:$0x1900]  }
0x45: {  	v53 =	vld [tilespmem:$0x1980]  }
0x46: {  	v54 =	vld [tilespmem:$0x1A00]  }
0x47: {  	[tilespmem:$0x1FFD0] =	vst v2;
	v2 =	vld [tilespmem:$0x1F00]  }
0x48: {  	v55 =	vld [tilespmem:$0x1A80]  }
0x49: {  	v56 =	vld [tilespmem:$0x1B00]  }
0x4a: {  	v57 =	vld [tilespmem:$0x1B80]  }
0x4b: {  	v58 =	vld [tilespmem:$0x1C00]  }
0x4c: {  	[tilespmem:$0x1FFE0] =	vst v2;
	v2 =	vld [tilespmem:$0x1F80]  }
0x4d: {  	v59 =	vld [tilespmem:$0x1C80]  }
0x4e: {  	v60 =	vld [tilespmem:$0x1D00]  }
0x4f: {  	v61 =	vld [tilespmem:$0x1D80]  }
0x50: {  	v62 =	vld [tilespmem:$0x1E00]  }
0x51: {  	s16 =	simm.s32 $0x40;
	s15 =	simm.s32 $0x0;
	v63 =	vld [tilespmem:$0x1E80];
	[tilespmem:$0x1FFF0] =	vst v2  }
.LBB2_2:
0x52: {  	p0 =	sne.s32 s16, $0x7FC0;
	[tilespmem:s15+$0x6000] =	vst v0;
	s15 =	smov.u32 s16;
	s16 =	sadd.s32 $0x40, s16  }
.Ltmp0:
0x53: {  	(pc) =	sbr.rel @p0 .LBB2_2-.Ltmp0, $2  }
0x54: {  	_ =	sdelay $0x2  }
0x55: {  	s15 =	sshra.s32 s15, $0x2  }
0x56: {  	v2 =	vld [tilespmem:$0x1FFD0];
	_ =	sdelay $0x4  }
0x57: {  	v2 =	vmax.f32 v2, $-3.399999950e+38  }
0x58: {  	v2 =	vmax.f32 v2, v4  }
0x59: {  	v2 =	vmax.f32 v2, v6  }
0x5a: {  	v2 =	vmax.f32 v2, v8  }
0x5b: {  	v2 =	vmax.f32 v2, v10  }
0x5c: {  	v3 =	vmin.f32 v3, $3.399999950e+38;
	v2 =	vmax.f32 v2, v12  }
0x5d: {  	v3 =	vmin.f32 v3, v5;
	v2 =	vmax.f32 v2, v14  }
0x5e: {  	v3 =	vmin.f32 v3, v7;
	v2 =	vmax.f32 v2, v16  }
0x5f: {  	v3 =	vmin.f32 v3, v9;
	v2 =	vmax.f32 v2, v18  }
0x60: {  	v3 =	vmin.f32 v3, v11;
	v2 =	vmax.f32 v2, v20  }
0x61: {  	v3 =	vmin.f32 v3, v13;
	v2 =	vmax.f32 v2, v22  }
0x62: {  	v3 =	vmin.f32 v3, v15;
	v2 =	vmax.f32 v2, v24  }
0x63: {  	v3 =	vmin.f32 v3, v17;
	v2 =	vmax.f32 v2, v26  }
0x64: {  	v3 =	vmin.f32 v3, v19;
	v2 =	vmax.f32 v2, v28  }
0x65: {  	v3 =	vmin.f32 v3, v21;
	v2 =	vmax.f32 v2, v30  }
0x66: {  	v3 =	vmin.f32 v3, v23;
	v2 =	vmax.f32 v2, v32  }
0x67: {  	v3 =	vmin.f32 v3, v25;
	v2 =	vmax.f32 v2, v34  }
0x68: {  	v3 =	vmin.f32 v3, v27;
	v2 =	vmax.f32 v2, v36  }
0x69: {  	v3 =	vmin.f32 v3, v29;
	v2 =	vmax.f32 v2, v38  }
0x6a: {  	v3 =	vmin.f32 v3, v31;
	v2 =	vmax.f32 v2, v40  }
0x6b: {  	v3 =	vmin.f32 v3, v33;
	v2 =	vmax.f32 v2, v42  }
0x6c: {  	v3 =	vmin.f32 v3, v35;
	v2 =	vmax.f32 v2, v44  }
0x6d: {  	v3 =	vmin.f32 v3, v37;
	v2 =	vmax.f32 v2, v46  }
0x6e: {  	v3 =	vmin.f32 v3, v39;
	v2 =	vmax.f32 v2, v48  }
0x6f: {  	v3 =	vmin.f32 v3, v41;
	v2 =	vmax.f32 v2, v50  }
0x70: {  	v3 =	vmin.f32 v3, v43;
	v2 =	vmax.f32 v2, v52  }
0x71: {  	v4 =	vld [tilespmem:$0x1FFE0];
	v3 =	vmin.f32 v3, v45;
	v2 =	vmax.f32 v2, v54  }
0x72: {  	v3 =	vmin.f32 v3, v47;
	v2 =	vmax.f32 v2, v56  }
0x73: {  	v3 =	vmin.f32 v3, v49;
	v2 =	vmax.f32 v2, v58  }
0x74: {  	v3 =	vmin.f32 v3, v51;
	v2 =	vmax.f32 v2, v60  }
0x75: {  	v3 =	vmin.f32 v3, v53;
	v2 =	vmax.f32 v2, v62  }
0x76: {  	v3 =	vmin.f32 v3, v55;
	v4 =	vmax.f32 v2, v4;
	v2 =	vld [tilespmem:$0x1FFF0]  }
0x77: {  	v3 =	vmin.f32 v3, v57  }
0x78: {  	v3 =	vmin.f32 v3, v59  }
0x79: {  	v3 =	vmin.f32 v3, v61  }
0x7a: {  	v3 =	vmin.f32 v3, v63  }
0x7b: {  	v2 =	vmin.f32 v3, v2  }
0x7c: {  	v3 =	vsub.f32 v4, v2;
	_ =	sdelay $0x1  }
0x7d: {  	v3 =	vmax.f32 v3, $1.000000000e-30  }
0x7e: {  	(erf) = vrcp.f32 v3;
	_ =	sdelay $0x8  }
0x7f: {  	v3 =	vpop (erf)  }
0x80: {  	[tilespmem:s15+$0x6000] =	vst v0;
	s15 =	simm.s32 $0x0;
	s16 =	simm.s32 $0x0;
	v3 =	vmul.f32 $8.192000000e+03, v3  }
.LBB2_4:
0x81: {  	s17 =	sshll.u32 s16, $0xB  }
0x82: {  	s17 =	sadd.s32 s17, s4  }
0x83: {  	[tilespmem:s10], [sflag:$0x1] =	stream.linear.gather [hbm4b:s17+s15], $0x4000, $0x38;
	[tilespmem:$0x8000] =	vst v63  }
0x84: {  	_ =	swait.ge [sflag:s9], $0x4000  }
0x85: {  	[sflag:s9] =	ssyncset.done $0x0  }
0x86: {  	s17 =	simm.s32 $0x0;
	[sflag:s9] =	ssyncadd.s32 $0xFFFFC000  }
.LBB2_5:
0x87: {  	s18 =	sshra.s32 s17, $0x2  }
0x88: {  	v4 =	vld [tilespmem:s18+$0x2000];
	_ =	sdelay $0x4  }
0x89: {  	v4 =	vsub.f32 v4, v2;
	_ =	sdelay $0x1  }
0x8a: {  	v4 =	vmul.f32 v4, v3;
	_ =	sdelay $0x1  }
0x8b: {  	v4 =	vtrunc.f32 v4  }
0x8c: {  	v4 =	vcvt.f32.s32 v4;
	_ =	sdelay $0x1  }
0x8d: {  	vm0 =	vlt.s32 v4, $0x1FFF  }
0x8e: {  	v4 =	vnsel vm0, $0x1FFF, v4;
	_ =	sdelay $0x4  }
0x8f: {  	[tilespmem:v4+s11+$0x0] =	vst.idx.add.f32.msk $0xffff, v1  }
0x90: {  	v4 =	vld [tilespmem:s18+$0x2010];
	_ =	sdelay $0x4  }
0x91: {  	v4 =	vsub.f32 v4, v2;
	_ =	sdelay $0x1  }
0x92: {  	v4 =	vmul.f32 v4, v3;
	_ =	sdelay $0x1  }
0x93: {  	v4 =	vtrunc.f32 v4  }
0x94: {  	v4 =	vcvt.f32.s32 v4;
	_ =	sdelay $0x1  }
0x95: {  	vm9 =	vlt.s32 v4, $0x1FFF  }
0x96: {  	v4 =	vnsel vm9, $0x1FFF, v4;
	_ =	sdelay $0x4  }
0x97: {  	[tilespmem:v4+s11+$0x0] =	vst.idx.add.f32.msk $0xffff, v1  }
0x98: {  	v4 =	vld [tilespmem:s18+$0x2020];
	_ =	sdelay $0x4  }
0x99: {  	v4 =	vsub.f32 v4, v2;
	_ =	sdelay $0x1  }
0x9a: {  	v4 =	vmul.f32 v4, v3;
	_ =	sdelay $0x1  }
0x9b: {  	v4 =	vtrunc.f32 v4  }
0x9c: {  	v4 =	vcvt.f32.s32 v4;
	_ =	sdelay $0x1  }
0x9d: {  	vm10 =	vlt.s32 v4, $0x1FFF  }
0x9e: {  	v4 =	vnsel vm10, $0x1FFF, v4;
	_ =	sdelay $0x4  }
0x9f: {  	[tilespmem:v4+s11+$0x0] =	vst.idx.add.f32.msk $0xffff, v1  }
0xa0: {  	v4 =	vld [tilespmem:s18+$0x2030];
	_ =	sdelay $0x4  }
0xa1: {  	v4 =	vsub.f32 v4, v2;
	_ =	sdelay $0x1  }
0xa2: {  	v4 =	vmul.f32 v4, v3;
	_ =	sdelay $0x1  }
0xa3: {  	v4 =	vtrunc.f32 v4  }
0xa4: {  	v4 =	vcvt.f32.s32 v4;
	_ =	sdelay $0x1  }
0xa5: {  	vm11 =	vlt.s32 v4, $0x1FFF  }
0xa6: {  	v4 =	vnsel vm11, $0x1FFF, v4;
	_ =	sdelay $0x4  }
0xa7: {  	[tilespmem:v4+s11+$0x0] =	vst.idx.add.f32.msk $0xffff, v1  }
0xa8: {  	v4 =	vld [tilespmem:s18+$0x2040];
	_ =	sdelay $0x4  }
0xa9: {  	v4 =	vsub.f32 v4, v2;
	_ =	sdelay $0x1  }
0xaa: {  	v4 =	vmul.f32 v4, v3;
	_ =	sdelay $0x1  }
0xab: {  	v4 =	vtrunc.f32 v4  }
0xac: {  	v4 =	vcvt.f32.s32 v4;
	_ =	sdelay $0x1  }
0xad: {  	vm12 =	vlt.s32 v4, $0x1FFF  }
0xae: {  	v4 =	vnsel vm12, $0x1FFF, v4;
	_ =	sdelay $0x4  }
0xaf: {  	[tilespmem:v4+s11+$0x0] =	vst.idx.add.f32.msk $0xffff, v1  }
0xb0: {  	v4 =	vld [tilespmem:s18+$0x2050];
	_ =	sdelay $0x4  }
0xb1: {  	v4 =	vsub.f32 v4, v2;
	_ =	sdelay $0x1  }
0xb2: {  	v4 =	vmul.f32 v4, v3;
	_ =	sdelay $0x1  }
0xb3: {  	v4 =	vtrunc.f32 v4  }
0xb4: {  	v4 =	vcvt.f32.s32 v4;
	_ =	sdelay $0x1  }
0xb5: {  	vm13 =	vlt.s32 v4, $0x1FFF  }
0xb6: {  	v4 =	vnsel vm13, $0x1FFF, v4;
	_ =	sdelay $0x4  }
0xb7: {  	[tilespmem:v4+s11+$0x0] =	vst.idx.add.f32.msk $0xffff, v1  }
0xb8: {  	v4 =	vld [tilespmem:s18+$0x2060];
	_ =	sdelay $0x4  }
0xb9: {  	v4 =	vsub.f32 v4, v2;
	_ =	sdelay $0x1  }
0xba: {  	v4 =	vmul.f32 v4, v3;
	_ =	sdelay $0x1  }
0xbb: {  	v4 =	vtrunc.f32 v4  }
0xbc: {  	v4 =	vcvt.f32.s32 v4;
	_ =	sdelay $0x1  }
0xbd: {  	vm14 =	vlt.s32 v4, $0x1FFF  }
0xbe: {  	v4 =	vnsel vm14, $0x1FFF, v4;
	_ =	sdelay $0x4  }
0xbf: {  	[tilespmem:v4+s11+$0x0] =	vst.idx.add.f32.msk $0xffff, v1  }
0xc0: {  	v4 =	vld [tilespmem:s18+$0x2070];
	_ =	sdelay $0x4  }
0xc1: {  	v4 =	vsub.f32 v4, v2;
	_ =	sdelay $0x1  }
0xc2: {  	v4 =	vmul.f32 v4, v3;
	_ =	sdelay $0x1  }
0xc3: {  	v4 =	vtrunc.f32 v4  }
0xc4: {  	v4 =	vcvt.f32.s32 v4;
	_ =	sdelay $0x1  }
0xc5: {  	vm15 =	vlt.s32 v4, $0x1FFF  }
0xc6: {  	p0 =	sne.s32 s17, $0xFE00;
	v4 =	vnsel vm15, $0x1FFF, v4  }
.Ltmp1:
0xc7: {  	_ = 	snop;
	(pc) =	sbr.rel @p0 .LBB2_5-.Ltmp1, $2  }
0xc8: {  	_ =	sdelay $0x2  }
0xc9: {  	s17 =	sadd.s32 $0x200, s17;
	[tilespmem:v4+s11+$0x0] =	vst.idx.add.f32.msk $0xffff, v1  }
0xca: {  	s16 =	sadd.s32 $0x1, s16  }
0xcb: {  	p0 =	sne.s32 s16, $0x8  }
.Ltmp2:
0xcc: {  	_ = 	snop;
	(pc) =	sbr.rel @p0 .LBB2_4-.Ltmp2, $1  }
0xcd: {  	_ =	sdelay $0x3  }
0xce: {  	s14 =	sadd.s32 $0x1, s14  }
0xcf: {  	p0 =	sne.s32 s14, s6  }
.Ltmp3:
0xd0: {  	_ = 	snop;
	(pc) =	sbr.rel @p0 .LBB2_1-.Ltmp3, $4  }
0xd1: {  	[hbm4b:s5+s12] =	stream.strided.scatter [tilespmem:s11], [sflag:$0x1], $0x2000, s13, s12, $0x38;
	[tilespmem:$0x8000] =	vst v63  }
0xd2: {  	_ =	swait.ge [sflag:s9], $0x2000  }
0xd3: {  	[sflag:s9] =	ssyncset.done $0x0  }
0xd4: {  	[sflag:s9] =	ssyncadd.s32 $0xFFFFE000  }
0xd5: {  	_ =	sfence.sel $0x180000  }
0xd6: {  	[bflag:$0x0] =	sbarrier.arrive $0xFFFF  }
0xd7: {  	p0 =	sne.s32 s1, $0x0;
	_ =	strace $0x90000047  }
0xd8: {  	s0 =	sadd.s32 @!p0 $0x100000, s0;
	[bflag:$0x2] =	sbarrier.arrive $0xFFFF  }
0xd9: {  	[sflag:s0] =	ssyncadd.tile.s32 @!p0 $0x1;
	_ =	shalt  }
.Lfunc_end2:
_tile_overlayer_lowered:
.L_overlay_start_2:
0xda: {  	(tag) =	ssettag $0x2  }
0xdb: {  	s0 =	rddreg [dreg:$0x0];
	s2 =	stileid.u32  }
0xdc: {  	s1 =	rddreg [dreg:$0x1];
	p0 =	sne.s32 s2, $0x0  }
0xdd: {  	s3 =	rddreg [dreg:$0x2];
	[bflag:$0x3] =	sbarrier.arrive $0xFFFF;
	s2 =	simm.s32 @!p0 $0x1C01  }
0xde: {  	[timem:s3], [sflag:s2] =	dma.local @!p0 [hbm:s0], s1  }
0xdf: {  	s0 =	simm.s32 @!p0 $0x1  }
0xe0: {  	_ =	swait.ge @!p0 [sflag:s0], s1  }
0xe1: {  	s1 =	ssub.s32 @!p0 $0x0, s1;
	[sflag:s0] =	ssyncset.done @!p0 $0x0  }
0xe2: {  	[sflag:s0] =	ssyncadd.s32 @!p0 s1  }
0xe3: {  	[bflag:$0x3] =	sbarrier.arrive $0xFFFF  }
0xe4: {  	_ =	shalt  }

</sc_bundles>
